<compile_context>
chip_gen: v7x
topology: tpu7x:2x2x1
jax: 0.10.2.dev20260603
libtpu: 0.0.44.dev20260713+nightly
codegen_flags: <defaults>
</compile_context>

<pallas_src>
import functools

import jax
import jax.numpy as jnp
from jax import lax
from jax.experimental import pallas as pl
from jax.experimental.pallas import tpu as pltpu
from jax.experimental.pallas import tpu_sc as plsc

_NUM_EMBEDDINGS = 1000000
_D = 32
_B = 16384
_H = 50
_NW = 32
_GROUPS = (_B // 128) * _H
_GPW = _GROUPS // _NW
_GPC = 8
_CHUNK = _GPC * 128
_NCHUNK = _GPW // _GPC


def _emb_body(idx_hbm, table_hbm, out_raw, idx_v, rows_v, gsem, wsem):
    wid = lax.axis_index("s") * 2 + lax.axis_index("c")
    g0 = wid * _GPW

    def chunk_pos(c):
        g = g0 + c * _GPC
        return g // 128, (g % 128) * 128

    def fire_chunk(c, slot):
        h, off = chunk_pos(c)
        pltpu.sync_copy(idx_hbm.at[h, pl.ds(off, _CHUNK)], idx_v.at[slot])
        for j in range(_GPC):
            pltpu.async_copy(
                table_hbm.at[idx_v.at[slot, pl.ds(j * 128, 128)]],
                rows_v.at[slot, pl.ds(j * 128, 128)],
                gsem.at[slot],
            )

    def drain_gathers(slot):
        pltpu.make_async_copy(
            table_hbm.at[pl.ds(0, _CHUNK)], rows_v.at[slot], gsem.at[slot]
        ).wait()

    def out_dst(c):
        h, off = chunk_pos(c)
        return out_raw.at[h, pl.ds(off, _CHUNK)]

    fire_chunk(0, 0)

    def body(c, _):
        slot = lax.rem(c, 2)
        nslot = 1 - slot

        @pl.when(c + 1 < _NCHUNK)
        def _prefetch():
            @pl.when(c >= 1)
            def _drain_write():
                pltpu.make_async_copy(
                    rows_v.at[nslot], out_dst(c - 1), wsem.at[nslot]
                ).wait()

            fire_chunk(c + 1, nslot)

        drain_gathers(slot)
        pltpu.async_copy(rows_v.at[slot], out_dst(c), wsem.at[slot])
        return _

    lax.fori_loop(0, _NCHUNK, body, None)

    last = _NCHUNK - 1
    pltpu.make_async_copy(
        rows_v.at[lax.rem(last, 2)], out_dst(last), wsem.at[lax.rem(last, 2)]
    ).wait()

    @pl.when(_NCHUNK >= 2)
    def _():
        pltpu.make_async_copy(
            rows_v.at[lax.rem(last - 1, 2)],
            out_dst(last - 1),
            wsem.at[lax.rem(last - 1, 2)],
        ).wait()


@jax.jit
def _emb(token_ids_t4, table):
    mesh = plsc.VectorSubcoreMesh(core_axis_name="c", subcore_axis_name="s")
    run = functools.partial(
        pl.kernel,
        mesh=mesh,
        out_type=jax.ShapeDtypeStruct((_H, _B, _D), jnp.float32),
        scratch_types=[
            pltpu.VMEM((2, _CHUNK), jnp.int32),
            pltpu.VMEM((2, _CHUNK, _D), jnp.float32),
            pltpu.SemaphoreType.DMA((2,)),
            pltpu.SemaphoreType.DMA((2,)),
        ],
        compiler_params=pltpu.CompilerParams(use_tc_tiling_on_sc=False),
    )(_emb_body)
    return run(token_ids_t4, table)


def kernel(token_ids, weight):
    table = jnp.pad(weight, ((0, 0), (0, 128 - _D))).reshape(-1, _D)
    idx4 = (token_ids.astype(jnp.int32) * 4).T
    out_t = _emb(idx4, table)
    return out_t.transpose(1, 0, 2)

# --- scband reference (transcript-rebuilt; emitter-appended) ---
"""Pipeline reference for scband-embedding-28621662060742 (READ-ONLY COPY).

The authoritative reference and input builder live on the scoring server;
editing this copy changes nothing except your own understanding.
"""

import jax, jax.numpy as jnp
import numpy as np

NUM_EMBEDDINGS = 1000000
EMBEDDING_DIM = 32
BATCH = 16384
HIST_LEN = 50

def setup_inputs(seed: int = 0) -> dict:
    key = jax.random.key(seed)
    k_idx, k_w = jax.random.split(key)
    token_ids = jax.random.randint(k_idx, (BATCH, HIST_LEN), 0, NUM_EMBEDDINGS, dtype=jnp.int64 if jax.config.jax_enable_x64 else jnp.int32)
    # trunc_normal_(mean=0, std=1, a=-3, b=3) approximated by clipped normal
    weight = jnp.clip(jax.random.normal(k_w, (NUM_EMBEDDINGS, EMBEDDING_DIM), dtype=jnp.float32), -3.0, 3.0)
    return {"token_ids": token_ids, "weight": weight}

def reference(token_ids, weight):
    # Embedding.forward: self.weight[token_ids]
    return jnp.take(weight, token_ids, axis=0)

if __name__ == "__main__":
    import jax
    _d = setup_inputs()
    print(jax.jit(kernel)(*tuple(_d.values())))

</pallas_src>

<mosaic_0001>
#map = affine_map<(d0, d1) -> (0, 0)>
#map1 = affine_map<(d0, d1) -> (0, 0, 0)>
module attributes {stable_mosaic.version = 14 : i64} {
  func.func @_emb_body(%arg0: i32, %arg1: i32, %arg2: memref<50x16384xi32, #tpu.memory_space<hbm>>, %arg3: memref<4000000x32xf32, #tpu.memory_space<hbm>>, %arg4: memref<50x16384x32xf32, #tpu.memory_space<hbm>>, %arg5: memref<2x1024xi32, #tpu.memory_space<vmem>>, %arg6: memref<2x1024x32xf32, #tpu.memory_space<vmem>>, %arg7: memref<2x!tpu.dma_semaphore, #tpu.memory_space<semaphore_mem>>, %arg8: memref<2x!tpu.dma_semaphore, #tpu.memory_space<semaphore_mem>>) attributes {dimension_semantics = [#tpu.dimension_semantics<core_parallel>, #tpu.dimension_semantics<subcore_parallel>], iteration_bounds = array<i64: 2, 16>, scalar_prefetch = 0 : i64, scratch_operands = 4 : i64, tpu.core_type = #tpu.core_type<sc_vector_subcore>, window_params = [{transform_indices = #map}, {transform_indices = #map}, {transform_indices = #map1}]} {
    %mul3A = arith.constant 2 : i32
    %mul3A_0 = arith.muli %arg1, %mul3A : i32
    %add3A = arith.addi %mul3A_0, %arg0 : i32
    %mul3A_1 = arith.constant 200 : i32
    %mul3A_2 = arith.muli %add3A, %mul3A_1 : i32
    %add3A_3 = arith.constant 0 : i32
    %add3A_4 = arith.addi %mul3A_2, %add3A_3 : i32
    %jit3A = arith.constant 128 : i32
    %div3A = arith.divsi %add3A_4, %jit3A : i32
    %sign3A = arith.constant 0 : i32
    %sign3A_5 = arith.cmpi sgt, %add3A_4, %sign3A : i32
    %sign3A_6 = arith.extui %sign3A_5 : i1 to i32
    %sign3A_7 = arith.constant 0 : i32
    %sign3A_8 = arith.cmpi slt, %add3A_4, %sign3A_7 : i32
    %sign3A_9 = arith.extui %sign3A_8 : i1 to i32
    %sign3A_10 = arith.subi %sign3A_6, %sign3A_9 : i32
    %sign3A_11 = arith.constant 0 : i32
    %sign3A_12 = arith.cmpi sgt, %jit3A, %sign3A_11 : i32
    %sign3A_13 = arith.extui %sign3A_12 : i1 to i32
    %sign3A_14 = arith.constant 0 : i32
    %sign3A_15 = arith.cmpi slt, %jit3A, %sign3A_14 : i32
    %sign3A_16 = arith.extui %sign3A_15 : i1 to i32
    %sign3A_17 = arith.subi %sign3A_13, %sign3A_16 : i32
    %ne3A = arith.cmpi ne, %sign3A_10, %sign3A_17 : i32
    %rem3A = arith.remsi %add3A_4, %jit3A : i32
    %ne3A_18 = arith.constant 0 : i32
    %ne3A_19 = arith.cmpi ne, %rem3A, %ne3A_18 : i32
    %and3A = arith.andi %ne3A, %ne3A_19 : i1
    %sub3A = arith.constant 1 : i32
    %sub3A_20 = arith.subi %div3A, %sub3A : i32
    %select_n3A = arith.select %and3A, %sub3A_20, %div3A : i32
    %jit3A_21 = arith.constant 128 : i32
    %eq3A = arith.constant 0 : i32
    %eq3A_22 = arith.cmpi eq, %jit3A_21, %eq3A : i32
    %jit3A_23 = arith.constant 1 : i32
    %select_n3A_24 = arith.select %eq3A_22, %jit3A_23, %jit3A_21 : i32
    %rem3A_25 = arith.remsi %add3A_4, %select_n3A_24 : i32
    %ne3A_26 = arith.constant 0 : i32
    %ne3A_27 = arith.cmpi ne, %rem3A_25, %ne3A_26 : i32
    %lt3A = arith.constant 0 : i32
    %lt3A_28 = arith.cmpi slt, %rem3A_25, %lt3A : i32
    %lt3A_29 = arith.constant 0 : i32
    %lt3A_30 = arith.cmpi slt, %select_n3A_24, %lt3A_29 : i32
    %ne3A_31 = arith.xori %lt3A_28, %lt3A_30 : i1
    %and3A_32 = arith.andi %ne3A_31, %ne3A_27 : i1
    %add3A_33 = arith.addi %rem3A_25, %select_n3A_24 : i32
    %select_n3A_34 = arith.select %and3A_32, %add3A_33, %rem3A_25 : i32
    %mul3A_35 = arith.constant 128 : i32
    %mul3A_36 = arith.muli %select_n3A_34, %mul3A_35 : i32
    %run_scoped3A = arith.constant 0 : i32
    "tpu.region"() ({
      %run_scoped3A_291 = tpu.sem_alloc : memref<!tpu.dma_semaphore, #tpu.memory_space<semaphore_mem>>
      %dma_start3A_292 = arith.constant 0 : i32
      %dma_start3A_293 = tpu.memref_slice %arg5[%run_scoped3A, %dma_start3A_292] : memref<2x1024xi32, #tpu.memory_space<vmem>> -> memref<1x1024xi32, #tpu.memory_space<vmem>>
      %dma_start3A_294 = tpu.memref_squeeze %dma_start3A_293 : memref<1x1024xi32, #tpu.memory_space<vmem>> -> memref<1024xi32, #tpu.memory_space<vmem>>
      %dma_start3A_295 = tpu.memref_slice %arg2[%select_n3A, %mul3A_36] : memref<50x16384xi32, #tpu.memory_space<hbm>> -> memref<1x1024xi32, #tpu.memory_space<hbm>>
      %dma_start3A_296 = tpu.memref_squeeze %dma_start3A_295 : memref<1x1024xi32, #tpu.memory_space<hbm>> -> memref<1024xi32, #tpu.memory_space<hbm>>
      %dma_start3A_297 = arith.constant 0 : i32
      %dma_start3A_298 = tpu.memref_slice %arg5[%run_scoped3A, %dma_start3A_297] : memref<2x1024xi32, #tpu.memory_space<vmem>> -> memref<1x1024xi32, #tpu.memory_space<vmem>>
      %dma_start3A_299 = tpu.memref_squeeze %dma_start3A_298 : memref<1x1024xi32, #tpu.memory_space<vmem>> -> memref<1024xi32, #tpu.memory_space<vmem>>
      %dma_start3A_300 = tpu.memref_slice %arg2[%select_n3A, %mul3A_36] : memref<50x16384xi32, #tpu.memory_space<hbm>> -> memref<1x1024xi32, #tpu.memory_space<hbm>>
      %dma_start3A_301 = tpu.memref_squeeze %dma_start3A_300 : memref<1x1024xi32, #tpu.memory_space<hbm>> -> memref<1024xi32, #tpu.memory_space<hbm>>
      tpu.enqueue_dma source(%dma_start3A_301 : memref<1024xi32, #tpu.memory_space<hbm>>) target(%dma_start3A_299 : memref<1024xi32, #tpu.memory_space<vmem>>) target_semaphore(%run_scoped3A_291 : memref<!tpu.dma_semaphore, #tpu.memory_space<semaphore_mem>>)
      %dma_wait3A_302 = arith.constant 0 : i32
      %dma_wait3A_303 = tpu.memref_slice %arg5[%run_scoped3A, %dma_wait3A_302] : memref<2x1024xi32, #tpu.memory_space<vmem>> -> memref<1x1024xi32, #tpu.memory_space<vmem>>
      %dma_wait3A_304 = tpu.memref_squeeze %dma_wait3A_303 : memref<1x1024xi32, #tpu.memory_space<vmem>> -> memref<1024xi32, #tpu.memory_space<vmem>>
      %dma_wait3A_305 = tpu.memref_slice %arg2[%select_n3A, %mul3A_36] : memref<50x16384xi32, #tpu.memory_space<hbm>> -> memref<1x1024xi32, #tpu.memory_space<hbm>>
      %dma_wait3A_306 = tpu.memref_squeeze %dma_wait3A_305 : memref<1x1024xi32, #tpu.memory_space<hbm>> -> memref<1024xi32, #tpu.memory_space<hbm>>
      %dma_wait3A_307 = arith.constant 0 : i32
      %dma_wait3A_308 = tpu.memref_slice %arg5[%run_scoped3A, %dma_wait3A_307] : memref<2x1024xi32, #tpu.memory_space<vmem>> -> memref<1x1024xi32, #tpu.memory_space<vmem>>
      %dma_wait3A_309 = tpu.memref_squeeze %dma_wait3A_308 : memref<1x1024xi32, #tpu.memory_space<vmem>> -> memref<1024xi32, #tpu.memory_space<vmem>>
      %dma_wait3A_310 = tpu.memref_slice %arg2[%select_n3A, %mul3A_36] : memref<50x16384xi32, #tpu.memory_space<hbm>> -> memref<1x1024xi32, #tpu.memory_space<hbm>>
      %dma_wait3A_311 = tpu.memref_squeeze %dma_wait3A_310 : memref<1x1024xi32, #tpu.memory_space<hbm>> -> memref<1024xi32, #tpu.memory_space<hbm>>
      tpu.wait_dma2 semaphore(%run_scoped3A_291 : memref<!tpu.dma_semaphore, #tpu.memory_space<semaphore_mem>>) src(%dma_wait3A_311 : memref<1024xi32, #tpu.memory_space<hbm>>) dst(%dma_wait3A_309 : memref<1024xi32, #tpu.memory_space<vmem>>)
      tpu.yield
    }) : () -> ()
    %dma_start3A = arith.constant 0 : i32
    %dma_start3A_37 = arith.constant 0 : i32
    %dma_start3A_38 = arith.constant 0 : i32
    %dma_start3A_39 = arith.constant 0 : i32
    %dma_start3A_40 = arith.constant 0 : i32
    %dma_start3A_41 = tpu.memref_slice %arg6[%dma_start3A_37, %dma_start3A_39, %dma_start3A_40] : memref<2x1024x32xf32, #tpu.memory_space<vmem>> -> memref<1x128x32xf32, #tpu.memory_space<vmem>>
    %dma_start3A_42 = tpu.memref_squeeze %dma_start3A_41 : memref<1x128x32xf32, #tpu.memory_space<vmem>> -> memref<128x32xf32, #tpu.memory_space<vmem>>
    %dma_start3A_43 = arith.constant 0 : i32
    %dma_start3A_44 = tpu.memref_slice %arg5[%dma_start3A, %dma_start3A_43] : memref<2x1024xi32, #tpu.memory_space<vmem>> -> memref<1x128xi32, #tpu.memory_space<vmem>>
    %dma_start3A_45 = tpu.memref_squeeze %dma_start3A_44 : memref<1x128xi32, #tpu.memory_space<vmem>> -> memref<128xi32, #tpu.memory_space<vmem>>
    %dma_start3A_46 = arith.constant 0 : i32
    %dma_start3A_47 = arith.constant 0 : i32
    %dma_start3A_48 = tpu.memref_slice %arg3[%dma_start3A_46, %dma_start3A_47] : memref<4000000x32xf32, #tpu.memory_space<hbm>> -> memref<4000000x32xf32, #tpu.memory_space<hbm>>
    %dma_start3A_49 = tpu.memref_slice %arg7[%dma_start3A_38] : memref<2x!tpu.dma_semaphore, #tpu.memory_space<semaphore_mem>> -> memref<1x!tpu.dma_semaphore, #tpu.memory_space<semaphore_mem>>
    %dma_start3A_50 = tpu.memref_squeeze %dma_start3A_49 : memref<1x!tpu.dma_semaphore, #tpu.memory_space<semaphore_mem>> -> memref<!tpu.dma_semaphore, #tpu.memory_space<semaphore_mem>>
    tpu.enqueue_indirect_dma source(%dma_start3A_48 : memref<4000000x32xf32, #tpu.memory_space<hbm>>) target(%dma_start3A_42 : memref<128x32xf32, #tpu.memory_space<vmem>>) offsets(%dma_start3A_45 : memref<128xi32, #tpu.memory_space<vmem>>) semaphore(%dma_start3A_50 : memref<!tpu.dma_semaphore, #tpu.memory_space<semaphore_mem>>)
    %dma_start3A_51 = arith.constant 0 : i32
    %dma_start3A_52 = arith.constant 0 : i32
    %dma_start3A_53 = arith.constant 0 : i32
    %dma_start3A_54 = arith.constant 128 : i32
    %dma_start3A_55 = arith.constant 0 : i32
    %dma_start3A_56 = tpu.memref_slice %arg6[%dma_start3A_52, %dma_start3A_54, %dma_start3A_55] : memref<2x1024x32xf32, #tpu.memory_space<vmem>> -> memref<1x128x32xf32, #tpu.memory_space<vmem>>
    %dma_start3A_57 = tpu.memref_squeeze %dma_start3A_56 : memref<1x128x32xf32, #tpu.memory_space<vmem>> -> memref<128x32xf32, #tpu.memory_space<vmem>>
    %dma_start3A_58 = arith.constant 128 : i32
    %dma_start3A_59 = tpu.memref_slice %arg5[%dma_start3A_51, %dma_start3A_58] : memref<2x1024xi32, #tpu.memory_space<vmem>> -> memref<1x128xi32, #tpu.memory_space<vmem>>
    %dma_start3A_60 = tpu.memref_squeeze %dma_start3A_59 : memref<1x128xi32, #tpu.memory_space<vmem>> -> memref<128xi32, #tpu.memory_space<vmem>>
    %dma_start3A_61 = arith.constant 0 : i32
    %dma_start3A_62 = arith.constant 0 : i32
    %dma_start3A_63 = tpu.memref_slice %arg3[%dma_start3A_61, %dma_start3A_62] : memref<4000000x32xf32, #tpu.memory_space<hbm>> -> memref<4000000x32xf32, #tpu.memory_space<hbm>>
    %dma_start3A_64 = tpu.memref_slice %arg7[%dma_start3A_53] : memref<2x!tpu.dma_semaphore, #tpu.memory_space<semaphore_mem>> -> memref<1x!tpu.dma_semaphore, #tpu.memory_space<semaphore_mem>>
    %dma_start3A_65 = tpu.memref_squeeze %dma_start3A_64 : memref<1x!tpu.dma_semaphore, #tpu.memory_space<semaphore_mem>> -> memref<!tpu.dma_semaphore, #tpu.memory_space<semaphore_mem>>
    tpu.enqueue_indirect_dma source(%dma_start3A_63 : memref<4000000x32xf32, #tpu.memory_space<hbm>>) target(%dma_start3A_57 : memref<128x32xf32, #tpu.memory_space<vmem>>) offsets(%dma_start3A_60 : memref<128xi32, #tpu.memory_space<vmem>>) semaphore(%dma_start3A_65 : memref<!tpu.dma_semaphore, #tpu.memory_space<semaphore_mem>>)
    %dma_start3A_66 = arith.constant 0 : i32
    %dma_start3A_67 = arith.constant 0 : i32
    %dma_start3A_68 = arith.constant 0 : i32
    %dma_start3A_69 = arith.constant 256 : i32
    %dma_start3A_70 = arith.constant 0 : i32
    %dma_start3A_71 = tpu.memref_slice %arg6[%dma_start3A_67, %dma_start3A_69, %dma_start3A_70] : memref<2x1024x32xf32, #tpu.memory_space<vmem>> -> memref<1x128x32xf32, #tpu.memory_space<vmem>>
    %dma_start3A_72 = tpu.memref_squeeze %dma_start3A_71 : memref<1x128x32xf32, #tpu.memory_space<vmem>> -> memref<128x32xf32, #tpu.memory_space<vmem>>
    %dma_start3A_73 = arith.constant 256 : i32
    %dma_start3A_74 = tpu.memref_slice %arg5[%dma_start3A_66, %dma_start3A_73] : memref<2x1024xi32, #tpu.memory_space<vmem>> -> memref<1x128xi32, #tpu.memory_space<vmem>>
    %dma_start3A_75 = tpu.memref_squeeze %dma_start3A_74 : memref<1x128xi32, #tpu.memory_space<vmem>> -> memref<128xi32, #tpu.memory_space<vmem>>
    %dma_start3A_76 = arith.constant 0 : i32
    %dma_start3A_77 = arith.constant 0 : i32
    %dma_start3A_78 = tpu.memref_slice %arg3[%dma_start3A_76, %dma_start3A_77] : memref<4000000x32xf32, #tpu.memory_space<hbm>> -> memref<4000000x32xf32, #tpu.memory_space<hbm>>
    %dma_start3A_79 = tpu.memref_slice %arg7[%dma_start3A_68] : memref<2x!tpu.dma_semaphore, #tpu.memory_space<semaphore_mem>> -> memref<1x!tpu.dma_semaphore, #tpu.memory_space<semaphore_mem>>
    %dma_start3A_80 = tpu.memref_squeeze %dma_start3A_79 : memref<1x!tpu.dma_semaphore, #tpu.memory_space<semaphore_mem>> -> memref<!tpu.dma_semaphore, #tpu.memory_space<semaphore_mem>>
    tpu.enqueue_indirect_dma source(%dma_start3A_78 : memref<4000000x32xf32, #tpu.memory_space<hbm>>) target(%dma_start3A_72 : memref<128x32xf32, #tpu.memory_space<vmem>>) offsets(%dma_start3A_75 : memref<128xi32, #tpu.memory_space<vmem>>) semaphore(%dma_start3A_80 : memref<!tpu.dma_semaphore, #tpu.memory_space<semaphore_mem>>)
    %dma_start3A_81 = arith.constant 0 : i32
    %dma_start3A_82 = arith.constant 0 : i32
    %dma_start3A_83 = arith.constant 0 : i32
    %dma_start3A_84 = arith.constant 384 : i32
    %dma_start3A_85 = arith.constant 0 : i32
    %dma_start3A_86 = tpu.memref_slice %arg6[%dma_start3A_82, %dma_start3A_84, %dma_start3A_85] : memref<2x1024x32xf32, #tpu.memory_space<vmem>> -> memref<1x128x32xf32, #tpu.memory_space<vmem>>
    %dma_start3A_87 = tpu.memref_squeeze %dma_start3A_86 : memref<1x128x32xf32, #tpu.memory_space<vmem>> -> memref<128x32xf32, #tpu.memory_space<vmem>>
    %dma_start3A_88 = arith.constant 384 : i32
    %dma_start3A_89 = tpu.memref_slice %arg5[%dma_start3A_81, %dma_start3A_88] : memref<2x1024xi32, #tpu.memory_space<vmem>> -> memref<1x128xi32, #tpu.memory_space<vmem>>
    %dma_start3A_90 = tpu.memref_squeeze %dma_start3A_89 : memref<1x128xi32, #tpu.memory_space<vmem>> -> memref<128xi32, #tpu.memory_space<vmem>>
    %dma_start3A_91 = arith.constant 0 : i32
    %dma_start3A_92 = arith.constant 0 : i32
    %dma_start3A_93 = tpu.memref_slice %arg3[%dma_start3A_91, %dma_start3A_92] : memref<4000000x32xf32, #tpu.memory_space<hbm>> -> memref<4000000x32xf32, #tpu.memory_space<hbm>>
    %dma_start3A_94 = tpu.memref_slice %arg7[%dma_start3A_83] : memref<2x!tpu.dma_semaphore, #tpu.memory_space<semaphore_mem>> -> memref<1x!tpu.dma_semaphore, #tpu.memory_space<semaphore_mem>>
    %dma_start3A_95 = tpu.memref_squeeze %dma_start3A_94 : memref<1x!tpu.dma_semaphore, #tpu.memory_space<semaphore_mem>> -> memref<!tpu.dma_semaphore, #tpu.memory_space<semaphore_mem>>
    tpu.enqueue_indirect_dma source(%dma_start3A_93 : memref<4000000x32xf32, #tpu.memory_space<hbm>>) target(%dma_start3A_87 : memref<128x32xf32, #tpu.memory_space<vmem>>) offsets(%dma_start3A_90 : memref<128xi32, #tpu.memory_space<vmem>>) semaphore(%dma_start3A_95 : memref<!tpu.dma_semaphore, #tpu.memory_space<semaphore_mem>>)
    %dma_start3A_96 = arith.constant 0 : i32
    %dma_start3A_97 = arith.constant 0 : i32
    %dma_start3A_98 = arith.constant 0 : i32
    %dma_start3A_99 = arith.constant 512 : i32
    %dma_start3A_100 = arith.constant 0 : i32
    %dma_start3A_101 = tpu.memref_slice %arg6[%dma_start3A_97, %dma_start3A_99, %dma_start3A_100] : memref<2x1024x32xf32, #tpu.memory_space<vmem>> -> memref<1x128x32xf32, #tpu.memory_space<vmem>>
    %dma_start3A_102 = tpu.memref_squeeze %dma_start3A_101 : memref<1x128x32xf32, #tpu.memory_space<vmem>> -> memref<128x32xf32, #tpu.memory_space<vmem>>
    %dma_start3A_103 = arith.constant 512 : i32
    %dma_start3A_104 = tpu.memref_slice %arg5[%dma_start3A_96, %dma_start3A_103] : memref<2x1024xi32, #tpu.memory_space<vmem>> -> memref<1x128xi32, #tpu.memory_space<vmem>>
    %dma_start3A_105 = tpu.memref_squeeze %dma_start3A_104 : memref<1x128xi32, #tpu.memory_space<vmem>> -> memref<128xi32, #tpu.memory_space<vmem>>
    %dma_start3A_106 = arith.constant 0 : i32
    %dma_start3A_107 = arith.constant 0 : i32
    %dma_start3A_108 = tpu.memref_slice %arg3[%dma_start3A_106, %dma_start3A_107] : memref<4000000x32xf32, #tpu.memory_space<hbm>> -> memref<4000000x32xf32, #tpu.memory_space<hbm>>
    %dma_start3A_109 = tpu.memref_slice %arg7[%dma_start3A_98] : memref<2x!tpu.dma_semaphore, #tpu.memory_space<semaphore_mem>> -> memref<1x!tpu.dma_semaphore, #tpu.memory_space<semaphore_mem>>
    %dma_start3A_110 = tpu.memref_squeeze %dma_start3A_109 : memref<1x!tpu.dma_semaphore, #tpu.memory_space<semaphore_mem>> -> memref<!tpu.dma_semaphore, #tpu.memory_space<semaphore_mem>>
    tpu.enqueue_indirect_dma source(%dma_start3A_108 : memref<4000000x32xf32, #tpu.memory_space<hbm>>) target(%dma_start3A_102 : memref<128x32xf32, #tpu.memory_space<vmem>>) offsets(%dma_start3A_105 : memref<128xi32, #tpu.memory_space<vmem>>) semaphore(%dma_start3A_110 : memref<!tpu.dma_semaphore, #tpu.memory_space<semaphore_mem>>)
    %dma_start3A_111 = arith.constant 0 : i32
    %dma_start3A_112 = arith.constant 0 : i32
    %dma_start3A_113 = arith.constant 0 : i32
    %dma_start3A_114 = arith.constant 640 : i32
    %dma_start3A_115 = arith.constant 0 : i32
    %dma_start3A_116 = tpu.memref_slice %arg6[%dma_start3A_112, %dma_start3A_114, %dma_start3A_115] : memref<2x1024x32xf32, #tpu.memory_space<vmem>> -> memref<1x128x32xf32, #tpu.memory_space<vmem>>
    %dma_start3A_117 = tpu.memref_squeeze %dma_start3A_116 : memref<1x128x32xf32, #tpu.memory_space<vmem>> -> memref<128x32xf32, #tpu.memory_space<vmem>>
    %dma_start3A_118 = arith.constant 640 : i32
    %dma_start3A_119 = tpu.memref_slice %arg5[%dma_start3A_111, %dma_start3A_118] : memref<2x1024xi32, #tpu.memory_space<vmem>> -> memref<1x128xi32, #tpu.memory_space<vmem>>
    %dma_start3A_120 = tpu.memref_squeeze %dma_start3A_119 : memref<1x128xi32, #tpu.memory_space<vmem>> -> memref<128xi32, #tpu.memory_space<vmem>>
    %dma_start3A_121 = arith.constant 0 : i32
    %dma_start3A_122 = arith.constant 0 : i32
    %dma_start3A_123 = tpu.memref_slice %arg3[%dma_start3A_121, %dma_start3A_122] : memref<4000000x32xf32, #tpu.memory_space<hbm>> -> memref<4000000x32xf32, #tpu.memory_space<hbm>>
    %dma_start3A_124 = tpu.memref_slice %arg7[%dma_start3A_113] : memref<2x!tpu.dma_semaphore, #tpu.memory_space<semaphore_mem>> -> memref<1x!tpu.dma_semaphore, #tpu.memory_space<semaphore_mem>>
    %dma_start3A_125 = tpu.memref_squeeze %dma_start3A_124 : memref<1x!tpu.dma_semaphore, #tpu.memory_space<semaphore_mem>> -> memref<!tpu.dma_semaphore, #tpu.memory_space<semaphore_mem>>
    tpu.enqueue_indirect_dma source(%dma_start3A_123 : memref<4000000x32xf32, #tpu.memory_space<hbm>>) target(%dma_start3A_117 : memref<128x32xf32, #tpu.memory_space<vmem>>) offsets(%dma_start3A_120 : memref<128xi32, #tpu.memory_space<vmem>>) semaphore(%dma_start3A_125 : memref<!tpu.dma_semaphore, #tpu.memory_space<semaphore_mem>>)
    %dma_start3A_126 = arith.constant 0 : i32
    %dma_start3A_127 = arith.constant 0 : i32
    %dma_start3A_128 = arith.constant 0 : i32
    %dma_start3A_129 = arith.constant 768 : i32
    %dma_start3A_130 = arith.constant 0 : i32
    %dma_start3A_131 = tpu.memref_slice %arg6[%dma_start3A_127, %dma_start3A_129, %dma_start3A_130] : memref<2x1024x32xf32, #tpu.memory_space<vmem>> -> memref<1x128x32xf32, #tpu.memory_space<vmem>>
    %dma_start3A_132 = tpu.memref_squeeze %dma_start3A_131 : memref<1x128x32xf32, #tpu.memory_space<vmem>> -> memref<128x32xf32, #tpu.memory_space<vmem>>
    %dma_start3A_133 = arith.constant 768 : i32
    %dma_start3A_134 = tpu.memref_slice %arg5[%dma_start3A_126, %dma_start3A_133] : memref<2x1024xi32, #tpu.memory_space<vmem>> -> memref<1x128xi32, #tpu.memory_space<vmem>>
    %dma_start3A_135 = tpu.memref_squeeze %dma_start3A_134 : memref<1x128xi32, #tpu.memory_space<vmem>> -> memref<128xi32, #tpu.memory_space<vmem>>
    %dma_start3A_136 = arith.constant 0 : i32
    %dma_start3A_137 = arith.constant 0 : i32
    %dma_start3A_138 = tpu.memref_slice %arg3[%dma_start3A_136, %dma_start3A_137] : memref<4000000x32xf32, #tpu.memory_space<hbm>> -> memref<4000000x32xf32, #tpu.memory_space<hbm>>
    %dma_start3A_139 = tpu.memref_slice %arg7[%dma_start3A_128] : memref<2x!tpu.dma_semaphore, #tpu.memory_space<semaphore_mem>> -> memref<1x!tpu.dma_semaphore, #tpu.memory_space<semaphore_mem>>
    %dma_start3A_140 = tpu.memref_squeeze %dma_start3A_139 : memref<1x!tpu.dma_semaphore, #tpu.memory_space<semaphore_mem>> -> memref<!tpu.dma_semaphore, #tpu.memory_space<semaphore_mem>>
    tpu.enqueue_indirect_dma source(%dma_start3A_138 : memref<4000000x32xf32, #tpu.memory_space<hbm>>) target(%dma_start3A_132 : memref<128x32xf32, #tpu.memory_space<vmem>>) offsets(%dma_start3A_135 : memref<128xi32, #tpu.memory_space<vmem>>) semaphore(%dma_start3A_140 : memref<!tpu.dma_semaphore, #tpu.memory_space<semaphore_mem>>)
    %dma_start3A_141 = arith.constant 0 : i32
    %dma_start3A_142 = arith.constant 0 : i32
    %dma_start3A_143 = arith.constant 0 : i32
    %dma_start3A_144 = arith.constant 896 : i32
    %dma_start3A_145 = arith.constant 0 : i32
    %dma_start3A_146 = tpu.memref_slice %arg6[%dma_start3A_142, %dma_start3A_144, %dma_start3A_145] : memref<2x1024x32xf32, #tpu.memory_space<vmem>> -> memref<1x128x32xf32, #tpu.memory_space<vmem>>
    %dma_start3A_147 = tpu.memref_squeeze %dma_start3A_146 : memref<1x128x32xf32, #tpu.memory_space<vmem>> -> memref<128x32xf32, #tpu.memory_space<vmem>>
    %dma_start3A_148 = arith.constant 896 : i32
    %dma_start3A_149 = tpu.memref_slice %arg5[%dma_start3A_141, %dma_start3A_148] : memref<2x1024xi32, #tpu.memory_space<vmem>> -> memref<1x128xi32, #tpu.memory_space<vmem>>
    %dma_start3A_150 = tpu.memref_squeeze %dma_start3A_149 : memref<1x128xi32, #tpu.memory_space<vmem>> -> memref<128xi32, #tpu.memory_space<vmem>>
    %dma_start3A_151 = arith.constant 0 : i32
    %dma_start3A_152 = arith.constant 0 : i32
    %dma_start3A_153 = tpu.memref_slice %arg3[%dma_start3A_151, %dma_start3A_152] : memref<4000000x32xf32, #tpu.memory_space<hbm>> -> memref<4000000x32xf32, #tpu.memory_space<hbm>>
    %dma_start3A_154 = tpu.memref_slice %arg7[%dma_start3A_143] : memref<2x!tpu.dma_semaphore, #tpu.memory_space<semaphore_mem>> -> memref<1x!tpu.dma_semaphore, #tpu.memory_space<semaphore_mem>>
    %dma_start3A_155 = tpu.memref_squeeze %dma_start3A_154 : memref<1x!tpu.dma_semaphore, #tpu.memory_space<semaphore_mem>> -> memref<!tpu.dma_semaphore, #tpu.memory_space<semaphore_mem>>
    tpu.enqueue_indirect_dma source(%dma_start3A_153 : memref<4000000x32xf32, #tpu.memory_space<hbm>>) target(%dma_start3A_147 : memref<128x32xf32, #tpu.memory_space<vmem>>) offsets(%dma_start3A_150 : memref<128xi32, #tpu.memory_space<vmem>>) semaphore(%dma_start3A_155 : memref<!tpu.dma_semaphore, #tpu.memory_space<semaphore_mem>>)
    %scan3A = arith.constant 0 : i32
    %scan3A_156 = arith.constant 25 : i32
    %scan3A_157 = arith.addi %scan3A, %scan3A_156 : i32
    %scan3A_158 = arith.constant 1 : i32
    scf.for %scan3A_291 = %scan3A to %scan3A_157 step %scan3A_158  : i32 {
      %rem3A_292 = arith.constant 2 : i32
      %rem3A_293 = arith.remsi %scan3A_291, %rem3A_292 : i32
      %sub3A_294 = arith.constant 1 : i32
      %sub3A_295 = arith.subi %sub3A_294, %rem3A_293 : i32
      %add3A_296 = arith.constant 1 : i32
      %add3A_297 = arith.addi %scan3A_291, %add3A_296 : i32
      %lt3A_298 = arith.constant 25 : i32
      %lt3A_299 = arith.cmpi slt, %add3A_297, %lt3A_298 : i32
      %convert_element_type3A = arith.extui %lt3A_299 : i1 to i32
      %cond3A = arith.constant 0 : i32
      %cond3A_300 = arith.cmpi ne, %convert_element_type3A, %cond3A : i32
      scf.if %cond3A_300 {
        %ge3A = arith.constant 1 : i32
        %ge3A_378 = arith.cmpi sge, %scan3A_291, %ge3A : i32
        %convert_element_type3A_379 = arith.extui %ge3A_378 : i1 to i32
        %cond3A_380 = arith.constant 0 : i32
        %cond3A_381 = arith.cmpi ne, %convert_element_type3A_379, %cond3A_380 : i32
        scf.if %cond3A_381 {
          %sub3A_525 = arith.constant 1 : i32
          %sub3A_526 = arith.subi %scan3A_291, %sub3A_525 : i32
          %mul3A_527 = arith.constant 8 : i32
          %mul3A_528 = arith.muli %sub3A_526, %mul3A_527 : i32
          %add3A_529 = arith.addi %mul3A_2, %mul3A_528 : i32
          %jit3A_530 = arith.constant 128 : i32
          %div3A_531 = arith.divsi %add3A_529, %jit3A_530 : i32
          %sign3A_532 = arith.constant 0 : i32
          %sign3A_533 = arith.cmpi sgt, %add3A_529, %sign3A_532 : i32
          %sign3A_534 = arith.extui %sign3A_533 : i1 to i32
          %sign3A_535 = arith.constant 0 : i32
          %sign3A_536 = arith.cmpi slt, %add3A_529, %sign3A_535 : i32
          %sign3A_537 = arith.extui %sign3A_536 : i1 to i32
          %sign3A_538 = arith.subi %sign3A_534, %sign3A_537 : i32
          %sign3A_539 = arith.constant 0 : i32
          %sign3A_540 = arith.cmpi sgt, %jit3A_530, %sign3A_539 : i32
          %sign3A_541 = arith.extui %sign3A_540 : i1 to i32
          %sign3A_542 = arith.constant 0 : i32
          %sign3A_543 = arith.cmpi slt, %jit3A_530, %sign3A_542 : i32
          %sign3A_544 = arith.extui %sign3A_543 : i1 to i32
          %sign3A_545 = arith.subi %sign3A_541, %sign3A_544 : i32
          %ne3A_546 = arith.cmpi ne, %sign3A_538, %sign3A_545 : i32
          %rem3A_547 = arith.remsi %add3A_529, %jit3A_530 : i32
          %ne3A_548 = arith.constant 0 : i32
          %ne3A_549 = arith.cmpi ne, %rem3A_547, %ne3A_548 : i32
          %and3A_550 = arith.andi %ne3A_546, %ne3A_549 : i1
          %sub3A_551 = arith.constant 1 : i32
          %sub3A_552 = arith.subi %div3A_531, %sub3A_551 : i32
          %select_n3A_553 = arith.select %and3A_550, %sub3A_552, %div3A_531 : i32
          %jit3A_554 = arith.constant 128 : i32
          %eq3A_555 = arith.constant 0 : i32
          %eq3A_556 = arith.cmpi eq, %jit3A_554, %eq3A_555 : i32
          %jit3A_557 = arith.constant 1 : i32
          %select_n3A_558 = arith.select %eq3A_556, %jit3A_557, %jit3A_554 : i32
          %rem3A_559 = arith.remsi %add3A_529, %select_n3A_558 : i32
          %ne3A_560 = arith.constant 0 : i32
          %ne3A_561 = arith.cmpi ne, %rem3A_559, %ne3A_560 : i32
          %lt3A_562 = arith.constant 0 : i32
          %lt3A_563 = arith.cmpi slt, %rem3A_559, %lt3A_562 : i32
          %lt3A_564 = arith.constant 0 : i32
          %lt3A_565 = arith.cmpi slt, %select_n3A_558, %lt3A_564 : i32
          %ne3A_566 = arith.xori %lt3A_563, %lt3A_565 : i1
          %and3A_567 = arith.andi %ne3A_566, %ne3A_561 : i1
          %add3A_568 = arith.addi %rem3A_559, %select_n3A_558 : i32
          %select_n3A_569 = arith.select %and3A_567, %add3A_568, %rem3A_559 : i32
          %mul3A_570 = arith.constant 128 : i32
          %mul3A_571 = arith.muli %select_n3A_569, %mul3A_570 : i32
          %dma_wait3A_572 = arith.constant 0 : i32
          %dma_wait3A_573 = arith.constant 0 : i32
          %dma_wait3A_574 = tpu.memref_slice %arg6[%sub3A_295, %dma_wait3A_572, %dma_wait3A_573] : memref<2x1024x32xf32, #tpu.memory_space<vmem>> -> memref<1x1024x32xf32, #tpu.memory_space<vmem>>
          %dma_wait3A_575 = tpu.memref_squeeze %dma_wait3A_574 : memref<1x1024x32xf32, #tpu.memory_space<vmem>> -> memref<1024x32xf32, #tpu.memory_space<vmem>>
          %dma_wait3A_576 = arith.constant 0 : i32
          %dma_wait3A_577 = tpu.memref_slice %arg4[%select_n3A_553, %mul3A_571, %dma_wait3A_576] : memref<50x16384x32xf32, #tpu.memory_space<hbm>> -> memref<1x1024x32xf32, #tpu.memory_space<hbm>>
          %dma_wait3A_578 = tpu.memref_squeeze %dma_wait3A_577 : memref<1x1024x32xf32, #tpu.memory_space<hbm>> -> memref<1024x32xf32, #tpu.memory_space<hbm>>
          %dma_wait3A_579 = tpu.memref_slice %arg8[%sub3A_295] : memref<2x!tpu.dma_semaphore, #tpu.memory_space<semaphore_mem>> -> memref<1x!tpu.dma_semaphore, #tpu.memory_space<semaphore_mem>>
          %dma_wait3A_580 = tpu.memref_squeeze %dma_wait3A_579 : memref<1x!tpu.dma_semaphore, #tpu.memory_space<semaphore_mem>> -> memref<!tpu.dma_semaphore, #tpu.memory_space<semaphore_mem>>
          %dma_wait3A_581 = arith.constant 0 : i32
          %dma_wait3A_582 = tpu.memref_slice %arg4[%select_n3A_553, %mul3A_571, %dma_wait3A_581] : memref<50x16384x32xf32, #tpu.memory_space<hbm>> -> memref<1x1024x32xf32, #tpu.memory_space<hbm>>
          %dma_wait3A_583 = tpu.memref_squeeze %dma_wait3A_582 : memref<1x1024x32xf32, #tpu.memory_space<hbm>> -> memref<1024x32xf32, #tpu.memory_space<hbm>>
          %dma_wait3A_584 = arith.constant 0 : i32
          %dma_wait3A_585 = arith.constant 0 : i32
          %dma_wait3A_586 = tpu.memref_slice %arg6[%sub3A_295, %dma_wait3A_584, %dma_wait3A_585] : memref<2x1024x32xf32, #tpu.memory_space<vmem>> -> memref<1x1024x32xf32, #tpu.memory_space<vmem>>
          %dma_wait3A_587 = tpu.memref_squeeze %dma_wait3A_586 : memref<1x1024x32xf32, #tpu.memory_space<vmem>> -> memref<1024x32xf32, #tpu.memory_space<vmem>>
          tpu.wait_dma2 semaphore(%dma_wait3A_580 : memref<!tpu.dma_semaphore, #tpu.memory_space<semaphore_mem>>) src(%dma_wait3A_587 : memref<1024x32xf32, #tpu.memory_space<vmem>>) dst(%dma_wait3A_583 : memref<1024x32xf32, #tpu.memory_space<hbm>>)
        } else {
        }
        %add3A_382 = arith.constant 1 : i32
        %add3A_383 = arith.addi %scan3A_291, %add3A_382 : i32
        %mul3A_384 = arith.constant 8 : i32
        %mul3A_385 = arith.muli %add3A_383, %mul3A_384 : i32
        %add3A_386 = arith.addi %mul3A_2, %mul3A_385 : i32
        %jit3A_387 = arith.constant 128 : i32
        %div3A_388 = arith.divsi %add3A_386, %jit3A_387 : i32
        %sign3A_389 = arith.constant 0 : i32
        %sign3A_390 = arith.cmpi sgt, %add3A_386, %sign3A_389 : i32
        %sign3A_391 = arith.extui %sign3A_390 : i1 to i32
        %sign3A_392 = arith.constant 0 : i32
        %sign3A_393 = arith.cmpi slt, %add3A_386, %sign3A_392 : i32
        %sign3A_394 = arith.extui %sign3A_393 : i1 to i32
        %sign3A_395 = arith.subi %sign3A_391, %sign3A_394 : i32
        %sign3A_396 = arith.constant 0 : i32
        %sign3A_397 = arith.cmpi sgt, %jit3A_387, %sign3A_396 : i32
        %sign3A_398 = arith.extui %sign3A_397 : i1 to i32
        %sign3A_399 = arith.constant 0 : i32
        %sign3A_400 = arith.cmpi slt, %jit3A_387, %sign3A_399 : i32
        %sign3A_401 = arith.extui %sign3A_400 : i1 to i32
        %sign3A_402 = arith.subi %sign3A_398, %sign3A_401 : i32
        %ne3A_403 = arith.cmpi ne, %sign3A_395, %sign3A_402 : i32
        %rem3A_404 = arith.remsi %add3A_386, %jit3A_387 : i32
        %ne3A_405 = arith.constant 0 : i32
        %ne3A_406 = arith.cmpi ne, %rem3A_404, %ne3A_405 : i32
        %and3A_407 = arith.andi %ne3A_403, %ne3A_406 : i1
        %sub3A_408 = arith.constant 1 : i32
        %sub3A_409 = arith.subi %div3A_388, %sub3A_408 : i32
        %select_n3A_410 = arith.select %and3A_407, %sub3A_409, %div3A_388 : i32
        %jit3A_411 = arith.constant 128 : i32
        %eq3A_412 = arith.constant 0 : i32
        %eq3A_413 = arith.cmpi eq, %jit3A_411, %eq3A_412 : i32
        %jit3A_414 = arith.constant 1 : i32
        %select_n3A_415 = arith.select %eq3A_413, %jit3A_414, %jit3A_411 : i32
        %rem3A_416 = arith.remsi %add3A_386, %select_n3A_415 : i32
        %ne3A_417 = arith.constant 0 : i32
        %ne3A_418 = arith.cmpi ne, %rem3A_416, %ne3A_417 : i32
        %lt3A_419 = arith.constant 0 : i32
        %lt3A_420 = arith.cmpi slt, %rem3A_416, %lt3A_419 : i32
        %lt3A_421 = arith.constant 0 : i32
        %lt3A_422 = arith.cmpi slt, %select_n3A_415, %lt3A_421 : i32
        %ne3A_423 = arith.xori %lt3A_420, %lt3A_422 : i1
        %and3A_424 = arith.andi %ne3A_423, %ne3A_418 : i1
        %add3A_425 = arith.addi %rem3A_416, %select_n3A_415 : i32
        %select_n3A_426 = arith.select %and3A_424, %add3A_425, %rem3A_416 : i32
        %mul3A_427 = arith.constant 128 : i32
        %mul3A_428 = arith.muli %select_n3A_426, %mul3A_427 : i32
        "tpu.region"() ({
          %run_scoped3A_525 = tpu.sem_alloc : memref<!tpu.dma_semaphore, #tpu.memory_space<semaphore_mem>>
          %dma_start3A_526 = arith.constant 0 : i32
          %dma_start3A_527 = tpu.memref_slice %arg5[%sub3A_295, %dma_start3A_526] : memref<2x1024xi32, #tpu.memory_space<vmem>> -> memref<1x1024xi32, #tpu.memory_space<vmem>>
          %dma_start3A_528 = tpu.memref_squeeze %dma_start3A_527 : memref<1x1024xi32, #tpu.memory_space<vmem>> -> memref<1024xi32, #tpu.memory_space<vmem>>
          %dma_start3A_529 = tpu.memref_slice %arg2[%select_n3A_410, %mul3A_428] : memref<50x16384xi32, #tpu.memory_space<hbm>> -> memref<1x1024xi32, #tpu.memory_space<hbm>>
          %dma_start3A_530 = tpu.memref_squeeze %dma_start3A_529 : memref<1x1024xi32, #tpu.memory_space<hbm>> -> memref<1024xi32, #tpu.memory_space<hbm>>
          %dma_start3A_531 = arith.constant 0 : i32
          %dma_start3A_532 = tpu.memref_slice %arg5[%sub3A_295, %dma_start3A_531] : memref<2x1024xi32, #tpu.memory_space<vmem>> -> memref<1x1024xi32, #tpu.memory_space<vmem>>
          %dma_start3A_533 = tpu.memref_squeeze %dma_start3A_532 : memref<1x1024xi32, #tpu.memory_space<vmem>> -> memref<1024xi32, #tpu.memory_space<vmem>>
          %dma_start3A_534 = tpu.memref_slice %arg2[%select_n3A_410, %mul3A_428] : memref<50x16384xi32, #tpu.memory_space<hbm>> -> memref<1x1024xi32, #tpu.memory_space<hbm>>
          %dma_start3A_535 = tpu.memref_squeeze %dma_start3A_534 : memref<1x1024xi32, #tpu.memory_space<hbm>> -> memref<1024xi32, #tpu.memory_space<hbm>>
          tpu.enqueue_dma source(%dma_start3A_535 : memref<1024xi32, #tpu.memory_space<hbm>>) target(%dma_start3A_533 : memref<1024xi32, #tpu.memory_space<vmem>>) target_semaphore(%run_scoped3A_525 : memref<!tpu.dma_semaphore, #tpu.memory_space<semaphore_mem>>)
          %dma_wait3A_536 = arith.constant 0 : i32
          %dma_wait3A_537 = tpu.memref_slice %arg5[%sub3A_295, %dma_wait3A_536] : memref<2x1024xi32, #tpu.memory_space<vmem>> -> memref<1x1024xi32, #tpu.memory_space<vmem>>
          %dma_wait3A_538 = tpu.memref_squeeze %dma_wait3A_537 : memref<1x1024xi32, #tpu.memory_space<vmem>> -> memref<1024xi32, #tpu.memory_space<vmem>>
          %dma_wait3A_539 = tpu.memref_slice %arg2[%select_n3A_410, %mul3A_428] : memref<50x16384xi32, #tpu.memory_space<hbm>> -> memref<1x1024xi32, #tpu.memory_space<hbm>>
          %dma_wait3A_540 = tpu.memref_squeeze %dma_wait3A_539 : memref<1x1024xi32, #tpu.memory_space<hbm>> -> memref<1024xi32, #tpu.memory_space<hbm>>
          %dma_wait3A_541 = arith.constant 0 : i32
          %dma_wait3A_542 = tpu.memref_slice %arg5[%sub3A_295, %dma_wait3A_541] : memref<2x1024xi32, #tpu.memory_space<vmem>> -> memref<1x1024xi32, #tpu.memory_space<vmem>>
          %dma_wait3A_543 = tpu.memref_squeeze %dma_wait3A_542 : memref<1x1024xi32, #tpu.memory_space<vmem>> -> memref<1024xi32, #tpu.memory_space<vmem>>
          %dma_wait3A_544 = tpu.memref_slice %arg2[%select_n3A_410, %mul3A_428] : memref<50x16384xi32, #tpu.memory_space<hbm>> -> memref<1x1024xi32, #tpu.memory_space<hbm>>
          %dma_wait3A_545 = tpu.memref_squeeze %dma_wait3A_544 : memref<1x1024xi32, #tpu.memory_space<hbm>> -> memref<1024xi32, #tpu.memory_space<hbm>>
          tpu.wait_dma2 semaphore(%run_scoped3A_525 : memref<!tpu.dma_semaphore, #tpu.memory_space<semaphore_mem>>) src(%dma_wait3A_545 : memref<1024xi32, #tpu.memory_space<hbm>>) dst(%dma_wait3A_543 : memref<1024xi32, #tpu.memory_space<vmem>>)
          tpu.yield
        }) : () -> ()
        %dma_start3A_429 = arith.constant 0 : i32
        %dma_start3A_430 = arith.constant 0 : i32
        %dma_start3A_431 = tpu.memref_slice %arg6[%sub3A_295, %dma_start3A_429, %dma_start3A_430] : memref<2x1024x32xf32, #tpu.memory_space<vmem>> -> memref<1x128x32xf32, #tpu.memory_space<vmem>>
        %dma_start3A_432 = tpu.memref_squeeze %dma_start3A_431 : memref<1x128x32xf32, #tpu.memory_space<vmem>> -> memref<128x32xf32, #tpu.memory_space<vmem>>
        %dma_start3A_433 = arith.constant 0 : i32
        %dma_start3A_434 = tpu.memref_slice %arg5[%sub3A_295, %dma_start3A_433] : memref<2x1024xi32, #tpu.memory_space<vmem>> -> memref<1x128xi32, #tpu.memory_space<vmem>>
        %dma_start3A_435 = tpu.memref_squeeze %dma_start3A_434 : memref<1x128xi32, #tpu.memory_space<vmem>> -> memref<128xi32, #tpu.memory_space<vmem>>
        %dma_start3A_436 = arith.constant 0 : i32
        %dma_start3A_437 = arith.constant 0 : i32
        %dma_start3A_438 = tpu.memref_slice %arg3[%dma_start3A_436, %dma_start3A_437] : memref<4000000x32xf32, #tpu.memory_space<hbm>> -> memref<4000000x32xf32, #tpu.memory_space<hbm>>
        %dma_start3A_439 = tpu.memref_slice %arg7[%sub3A_295] : memref<2x!tpu.dma_semaphore, #tpu.memory_space<semaphore_mem>> -> memref<1x!tpu.dma_semaphore, #tpu.memory_space<semaphore_mem>>
        %dma_start3A_440 = tpu.memref_squeeze %dma_start3A_439 : memref<1x!tpu.dma_semaphore, #tpu.memory_space<semaphore_mem>> -> memref<!tpu.dma_semaphore, #tpu.memory_space<semaphore_mem>>
        tpu.enqueue_indirect_dma source(%dma_start3A_438 : memref<4000000x32xf32, #tpu.memory_space<hbm>>) target(%dma_start3A_432 : memref<128x32xf32, #tpu.memory_space<vmem>>) offsets(%dma_start3A_435 : memref<128xi32, #tpu.memory_space<vmem>>) semaphore(%dma_start3A_440 : memref<!tpu.dma_semaphore, #tpu.memory_space<semaphore_mem>>)
        %dma_start3A_441 = arith.constant 128 : i32
        %dma_start3A_442 = arith.constant 0 : i32
        %dma_start3A_443 = tpu.memref_slice %arg6[%sub3A_295, %dma_start3A_441, %dma_start3A_442] : memref<2x1024x32xf32, #tpu.memory_space<vmem>> -> memref<1x128x32xf32, #tpu.memory_space<vmem>>
        %dma_start3A_444 = tpu.memref_squeeze %dma_start3A_443 : memref<1x128x32xf32, #tpu.memory_space<vmem>> -> memref<128x32xf32, #tpu.memory_space<vmem>>
        %dma_start3A_445 = arith.constant 128 : i32
        %dma_start3A_446 = tpu.memref_slice %arg5[%sub3A_295, %dma_start3A_445] : memref<2x1024xi32, #tpu.memory_space<vmem>> -> memref<1x128xi32, #tpu.memory_space<vmem>>
        %dma_start3A_447 = tpu.memref_squeeze %dma_start3A_446 : memref<1x128xi32, #tpu.memory_space<vmem>> -> memref<128xi32, #tpu.memory_space<vmem>>
        %dma_start3A_448 = arith.constant 0 : i32
        %dma_start3A_449 = arith.constant 0 : i32
        %dma_start3A_450 = tpu.memref_slice %arg3[%dma_start3A_448, %dma_start3A_449] : memref<4000000x32xf32, #tpu.memory_space<hbm>> -> memref<4000000x32xf32, #tpu.memory_space<hbm>>
        %dma_start3A_451 = tpu.memref_slice %arg7[%sub3A_295] : memref<2x!tpu.dma_semaphore, #tpu.memory_space<semaphore_mem>> -> memref<1x!tpu.dma_semaphore, #tpu.memory_space<semaphore_mem>>
        %dma_start3A_452 = tpu.memref_squeeze %dma_start3A_451 : memref<1x!tpu.dma_semaphore, #tpu.memory_space<semaphore_mem>> -> memref<!tpu.dma_semaphore, #tpu.memory_space<semaphore_mem>>
        tpu.enqueue_indirect_dma source(%dma_start3A_450 : memref<4000000x32xf32, #tpu.memory_space<hbm>>) target(%dma_start3A_444 : memref<128x32xf32, #tpu.memory_space<vmem>>) offsets(%dma_start3A_447 : memref<128xi32, #tpu.memory_space<vmem>>) semaphore(%dma_start3A_452 : memref<!tpu.dma_semaphore, #tpu.memory_space<semaphore_mem>>)
        %dma_start3A_453 = arith.constant 256 : i32
        %dma_start3A_454 = arith.constant 0 : i32
        %dma_start3A_455 = tpu.memref_slice %arg6[%sub3A_295, %dma_start3A_453, %dma_start3A_454] : memref<2x1024x32xf32, #tpu.memory_space<vmem>> -> memref<1x128x32xf32, #tpu.memory_space<vmem>>
        %dma_start3A_456 = tpu.memref_squeeze %dma_start3A_455 : memref<1x128x32xf32, #tpu.memory_space<vmem>> -> memref<128x32xf32, #tpu.memory_space<vmem>>
        %dma_start3A_457 = arith.constant 256 : i32
        %dma_start3A_458 = tpu.memref_slice %arg5[%sub3A_295, %dma_start3A_457] : memref<2x1024xi32, #tpu.memory_space<vmem>> -> memref<1x128xi32, #tpu.memory_space<vmem>>
        %dma_start3A_459 = tpu.memref_squeeze %dma_start3A_458 : memref<1x128xi32, #tpu.memory_space<vmem>> -> memref<128xi32, #tpu.memory_space<vmem>>
        %dma_start3A_460 = arith.constant 0 : i32
        %dma_start3A_461 = arith.constant 0 : i32
        %dma_start3A_462 = tpu.memref_slice %arg3[%dma_start3A_460, %dma_start3A_461] : memref<4000000x32xf32, #tpu.memory_space<hbm>> -> memref<4000000x32xf32, #tpu.memory_space<hbm>>
        %dma_start3A_463 = tpu.memref_slice %arg7[%sub3A_295] : memref<2x!tpu.dma_semaphore, #tpu.memory_space<semaphore_mem>> -> memref<1x!tpu.dma_semaphore, #tpu.memory_space<semaphore_mem>>
        %dma_start3A_464 = tpu.memref_squeeze %dma_start3A_463 : memref<1x!tpu.dma_semaphore, #tpu.memory_space<semaphore_mem>> -> memref<!tpu.dma_semaphore, #tpu.memory_space<semaphore_mem>>
        tpu.enqueue_indirect_dma source(%dma_start3A_462 : memref<4000000x32xf32, #tpu.memory_space<hbm>>) target(%dma_start3A_456 : memref<128x32xf32, #tpu.memory_space<vmem>>) offsets(%dma_start3A_459 : memref<128xi32, #tpu.memory_space<vmem>>) semaphore(%dma_start3A_464 : memref<!tpu.dma_semaphore, #tpu.memory_space<semaphore_mem>>)
        %dma_start3A_465 = arith.constant 384 : i32
        %dma_start3A_466 = arith.constant 0 : i32
        %dma_start3A_467 = tpu.memref_slice %arg6[%sub3A_295, %dma_start3A_465, %dma_start3A_466] : memref<2x1024x32xf32, #tpu.memory_space<vmem>> -> memref<1x128x32xf32, #tpu.memory_space<vmem>>
        %dma_start3A_468 = tpu.memref_squeeze %dma_start3A_467 : memref<1x128x32xf32, #tpu.memory_space<vmem>> -> memref<128x32xf32, #tpu.memory_space<vmem>>
        %dma_start3A_469 = arith.constant 384 : i32
        %dma_start3A_470 = tpu.memref_slice %arg5[%sub3A_295, %dma_start3A_469] : memref<2x1024xi32, #tpu.memory_space<vmem>> -> memref<1x128xi32, #tpu.memory_space<vmem>>
        %dma_start3A_471 = tpu.memref_squeeze %dma_start3A_470 : memref<1x128xi32, #tpu.memory_space<vmem>> -> memref<128xi32, #tpu.memory_space<vmem>>
        %dma_start3A_472 = arith.constant 0 : i32
        %dma_start3A_473 = arith.constant 0 : i32
        %dma_start3A_474 = tpu.memref_slice %arg3[%dma_start3A_472, %dma_start3A_473] : memref<4000000x32xf32, #tpu.memory_space<hbm>> -> memref<4000000x32xf32, #tpu.memory_space<hbm>>
        %dma_start3A_475 = tpu.memref_slice %arg7[%sub3A_295] : memref<2x!tpu.dma_semaphore, #tpu.memory_space<semaphore_mem>> -> memref<1x!tpu.dma_semaphore, #tpu.memory_space<semaphore_mem>>
        %dma_start3A_476 = tpu.memref_squeeze %dma_start3A_475 : memref<1x!tpu.dma_semaphore, #tpu.memory_space<semaphore_mem>> -> memref<!tpu.dma_semaphore, #tpu.memory_space<semaphore_mem>>
        tpu.enqueue_indirect_dma source(%dma_start3A_474 : memref<4000000x32xf32, #tpu.memory_space<hbm>>) target(%dma_start3A_468 : memref<128x32xf32, #tpu.memory_space<vmem>>) offsets(%dma_start3A_471 : memref<128xi32, #tpu.memory_space<vmem>>) semaphore(%dma_start3A_476 : memref<!tpu.dma_semaphore, #tpu.memory_space<semaphore_mem>>)
        %dma_start3A_477 = arith.constant 512 : i32
        %dma_start3A_478 = arith.constant 0 : i32
        %dma_start3A_479 = tpu.memref_slice %arg6[%sub3A_295, %dma_start3A_477, %dma_start3A_478] : memref<2x1024x32xf32, #tpu.memory_space<vmem>> -> memref<1x128x32xf32, #tpu.memory_space<vmem>>
        %dma_start3A_480 = tpu.memref_squeeze %dma_start3A_479 : memref<1x128x32xf32, #tpu.memory_space<vmem>> -> memref<128x32xf32, #tpu.memory_space<vmem>>
        %dma_start3A_481 = arith.constant 512 : i32
        %dma_start3A_482 = tpu.memref_slice %arg5[%sub3A_295, %dma_start3A_481] : memref<2x1024xi32, #tpu.memory_space<vmem>> -> memref<1x128xi32, #tpu.memory_space<vmem>>
        %dma_start3A_483 = tpu.memref_squeeze %dma_start3A_482 : memref<1x128xi32, #tpu.memory_space<vmem>> -> memref<128xi32, #tpu.memory_space<vmem>>
        %dma_start3A_484 = arith.constant 0 : i32
        %dma_start3A_485 = arith.constant 0 : i32
        %dma_start3A_486 = tpu.memref_slice %arg3[%dma_start3A_484, %dma_start3A_485] : memref<4000000x32xf32, #tpu.memory_space<hbm>> -> memref<4000000x32xf32, #tpu.memory_space<hbm>>
        %dma_start3A_487 = tpu.memref_slice %arg7[%sub3A_295] : memref<2x!tpu.dma_semaphore, #tpu.memory_space<semaphore_mem>> -> memref<1x!tpu.dma_semaphore, #tpu.memory_space<semaphore_mem>>
        %dma_start3A_488 = tpu.memref_squeeze %dma_start3A_487 : memref<1x!tpu.dma_semaphore, #tpu.memory_space<semaphore_mem>> -> memref<!tpu.dma_semaphore, #tpu.memory_space<semaphore_mem>>
        tpu.enqueue_indirect_dma source(%dma_start3A_486 : memref<4000000x32xf32, #tpu.memory_space<hbm>>) target(%dma_start3A_480 : memref<128x32xf32, #tpu.memory_space<vmem>>) offsets(%dma_start3A_483 : memref<128xi32, #tpu.memory_space<vmem>>) semaphore(%dma_start3A_488 : memref<!tpu.dma_semaphore, #tpu.memory_space<semaphore_mem>>)
        %dma_start3A_489 = arith.constant 640 : i32
        %dma_start3A_490 = arith.constant 0 : i32
        %dma_start3A_491 = tpu.memref_slice %arg6[%sub3A_295, %dma_start3A_489, %dma_start3A_490] : memref<2x1024x32xf32, #tpu.memory_space<vmem>> -> memref<1x128x32xf32, #tpu.memory_space<vmem>>
        %dma_start3A_492 = tpu.memref_squeeze %dma_start3A_491 : memref<1x128x32xf32, #tpu.memory_space<vmem>> -> memref<128x32xf32, #tpu.memory_space<vmem>>
        %dma_start3A_493 = arith.constant 640 : i32
        %dma_start3A_494 = tpu.memref_slice %arg5[%sub3A_295, %dma_start3A_493] : memref<2x1024xi32, #tpu.memory_space<vmem>> -> memref<1x128xi32, #tpu.memory_space<vmem>>
        %dma_start3A_495 = tpu.memref_squeeze %dma_start3A_494 : memref<1x128xi32, #tpu.memory_space<vmem>> -> memref<128xi32, #tpu.memory_space<vmem>>
        %dma_start3A_496 = arith.constant 0 : i32
        %dma_start3A_497 = arith.constant 0 : i32
        %dma_start3A_498 = tpu.memref_slice %arg3[%dma_start3A_496, %dma_start3A_497] : memref<4000000x32xf32, #tpu.memory_space<hbm>> -> memref<4000000x32xf32, #tpu.memory_space<hbm>>
        %dma_start3A_499 = tpu.memref_slice %arg7[%sub3A_295] : memref<2x!tpu.dma_semaphore, #tpu.memory_space<semaphore_mem>> -> memref<1x!tpu.dma_semaphore, #tpu.memory_space<semaphore_mem>>
        %dma_start3A_500 = tpu.memref_squeeze %dma_start3A_499 : memref<1x!tpu.dma_semaphore, #tpu.memory_space<semaphore_mem>> -> memref<!tpu.dma_semaphore, #tpu.memory_space<semaphore_mem>>
        tpu.enqueue_indirect_dma source(%dma_start3A_498 : memref<4000000x32xf32, #tpu.memory_space<hbm>>) target(%dma_start3A_492 : memref<128x32xf32, #tpu.memory_space<vmem>>) offsets(%dma_start3A_495 : memref<128xi32, #tpu.memory_space<vmem>>) semaphore(%dma_start3A_500 : memref<!tpu.dma_semaphore, #tpu.memory_space<semaphore_mem>>)
        %dma_start3A_501 = arith.constant 768 : i32
        %dma_start3A_502 = arith.constant 0 : i32
        %dma_start3A_503 = tpu.memref_slice %arg6[%sub3A_295, %dma_start3A_501, %dma_start3A_502] : memref<2x1024x32xf32, #tpu.memory_space<vmem>> -> memref<1x128x32xf32, #tpu.memory_space<vmem>>
        %dma_start3A_504 = tpu.memref_squeeze %dma_start3A_503 : memref<1x128x32xf32, #tpu.memory_space<vmem>> -> memref<128x32xf32, #tpu.memory_space<vmem>>
        %dma_start3A_505 = arith.constant 768 : i32
        %dma_start3A_506 = tpu.memref_slice %arg5[%sub3A_295, %dma_start3A_505] : memref<2x1024xi32, #tpu.memory_space<vmem>> -> memref<1x128xi32, #tpu.memory_space<vmem>>
        %dma_start3A_507 = tpu.memref_squeeze %dma_start3A_506 : memref<1x128xi32, #tpu.memory_space<vmem>> -> memref<128xi32, #tpu.memory_space<vmem>>
        %dma_start3A_508 = arith.constant 0 : i32
        %dma_start3A_509 = arith.constant 0 : i32
        %dma_start3A_510 = tpu.memref_slice %arg3[%dma_start3A_508, %dma_start3A_509] : memref<4000000x32xf32, #tpu.memory_space<hbm>> -> memref<4000000x32xf32, #tpu.memory_space<hbm>>
        %dma_start3A_511 = tpu.memref_slice %arg7[%sub3A_295] : memref<2x!tpu.dma_semaphore, #tpu.memory_space<semaphore_mem>> -> memref<1x!tpu.dma_semaphore, #tpu.memory_space<semaphore_mem>>
        %dma_start3A_512 = tpu.memref_squeeze %dma_start3A_511 : memref<1x!tpu.dma_semaphore, #tpu.memory_space<semaphore_mem>> -> memref<!tpu.dma_semaphore, #tpu.memory_space<semaphore_mem>>
        tpu.enqueue_indirect_dma source(%dma_start3A_510 : memref<4000000x32xf32, #tpu.memory_space<hbm>>) target(%dma_start3A_504 : memref<128x32xf32, #tpu.memory_space<vmem>>) offsets(%dma_start3A_507 : memref<128xi32, #tpu.memory_space<vmem>>) semaphore(%dma_start3A_512 : memref<!tpu.dma_semaphore, #tpu.memory_space<semaphore_mem>>)
        %dma_start3A_513 = arith.constant 896 : i32
        %dma_start3A_514 = arith.constant 0 : i32
        %dma_start3A_515 = tpu.memref_slice %arg6[%sub3A_295, %dma_start3A_513, %dma_start3A_514] : memref<2x1024x32xf32, #tpu.memory_space<vmem>> -> memref<1x128x32xf32, #tpu.memory_space<vmem>>
        %dma_start3A_516 = tpu.memref_squeeze %dma_start3A_515 : memref<1x128x32xf32, #tpu.memory_space<vmem>> -> memref<128x32xf32, #tpu.memory_space<vmem>>
        %dma_start3A_517 = arith.constant 896 : i32
        %dma_start3A_518 = tpu.memref_slice %arg5[%sub3A_295, %dma_start3A_517] : memref<2x1024xi32, #tpu.memory_space<vmem>> -> memref<1x128xi32, #tpu.memory_space<vmem>>
        %dma_start3A_519 = tpu.memref_squeeze %dma_start3A_518 : memref<1x128xi32, #tpu.memory_space<vmem>> -> memref<128xi32, #tpu.memory_space<vmem>>
        %dma_start3A_520 = arith.constant 0 : i32
        %dma_start3A_521 = arith.constant 0 : i32
        %dma_start3A_522 = tpu.memref_slice %arg3[%dma_start3A_520, %dma_start3A_521] : memref<4000000x32xf32, #tpu.memory_space<hbm>> -> memref<4000000x32xf32, #tpu.memory_space<hbm>>
        %dma_start3A_523 = tpu.memref_slice %arg7[%sub3A_295] : memref<2x!tpu.dma_semaphore, #tpu.memory_space<semaphore_mem>> -> memref<1x!tpu.dma_semaphore, #tpu.memory_space<semaphore_mem>>
        %dma_start3A_524 = tpu.memref_squeeze %dma_start3A_523 : memref<1x!tpu.dma_semaphore, #tpu.memory_space<semaphore_mem>> -> memref<!tpu.dma_semaphore, #tpu.memory_space<semaphore_mem>>
        tpu.enqueue_indirect_dma source(%dma_start3A_522 : memref<4000000x32xf32, #tpu.memory_space<hbm>>) target(%dma_start3A_516 : memref<128x32xf32, #tpu.memory_space<vmem>>) offsets(%dma_start3A_519 : memref<128xi32, #tpu.memory_space<vmem>>) semaphore(%dma_start3A_524 : memref<!tpu.dma_semaphore, #tpu.memory_space<semaphore_mem>>)
      } else {
      }
      %dma_wait3A_301 = arith.constant 0 : i32
      %dma_wait3A_302 = arith.constant 0 : i32
      %dma_wait3A_303 = tpu.memref_slice %arg6[%rem3A_293, %dma_wait3A_301, %dma_wait3A_302] : memref<2x1024x32xf32, #tpu.memory_space<vmem>> -> memref<1x1024x32xf32, #tpu.memory_space<vmem>>
      %dma_wait3A_304 = tpu.memref_squeeze %dma_wait3A_303 : memref<1x1024x32xf32, #tpu.memory_space<vmem>> -> memref<1024x32xf32, #tpu.memory_space<vmem>>
      %dma_wait3A_305 = arith.constant 0 : i32
      %dma_wait3A_306 = arith.constant 0 : i32
      %dma_wait3A_307 = tpu.memref_slice %arg3[%dma_wait3A_305, %dma_wait3A_306] : memref<4000000x32xf32, #tpu.memory_space<hbm>> -> memref<1024x32xf32, #tpu.memory_space<hbm>>
      %dma_wait3A_308 = tpu.memref_slice %arg7[%rem3A_293] : memref<2x!tpu.dma_semaphore, #tpu.memory_space<semaphore_mem>> -> memref<1x!tpu.dma_semaphore, #tpu.memory_space<semaphore_mem>>
      %dma_wait3A_309 = tpu.memref_squeeze %dma_wait3A_308 : memref<1x!tpu.dma_semaphore, #tpu.memory_space<semaphore_mem>> -> memref<!tpu.dma_semaphore, #tpu.memory_space<semaphore_mem>>
      %dma_wait3A_310 = arith.constant 0 : i32
      %dma_wait3A_311 = arith.constant 0 : i32
      %dma_wait3A_312 = tpu.memref_slice %arg6[%rem3A_293, %dma_wait3A_310, %dma_wait3A_311] : memref<2x1024x32xf32, #tpu.memory_space<vmem>> -> memref<1x1024x32xf32, #tpu.memory_space<vmem>>
      %dma_wait3A_313 = tpu.memref_squeeze %dma_wait3A_312 : memref<1x1024x32xf32, #tpu.memory_space<vmem>> -> memref<1024x32xf32, #tpu.memory_space<vmem>>
      %dma_wait3A_314 = arith.constant 0 : i32
      %dma_wait3A_315 = arith.constant 0 : i32
      %dma_wait3A_316 = tpu.memref_slice %arg3[%dma_wait3A_314, %dma_wait3A_315] : memref<4000000x32xf32, #tpu.memory_space<hbm>> -> memref<1024x32xf32, #tpu.memory_space<hbm>>
      tpu.wait_dma2 semaphore(%dma_wait3A_309 : memref<!tpu.dma_semaphore, #tpu.memory_space<semaphore_mem>>) src(%dma_wait3A_316 : memref<1024x32xf32, #tpu.memory_space<hbm>>) dst(%dma_wait3A_313 : memref<1024x32xf32, #tpu.memory_space<vmem>>)
      %mul3A_317 = arith.constant 8 : i32
      %mul3A_318 = arith.muli %scan3A_291, %mul3A_317 : i32
      %add3A_319 = arith.addi %mul3A_2, %mul3A_318 : i32
      %jit3A_320 = arith.constant 128 : i32
      %div3A_321 = arith.divsi %add3A_319, %jit3A_320 : i32
      %sign3A_322 = arith.constant 0 : i32
      %sign3A_323 = arith.cmpi sgt, %add3A_319, %sign3A_322 : i32
      %sign3A_324 = arith.extui %sign3A_323 : i1 to i32
      %sign3A_325 = arith.constant 0 : i32
      %sign3A_326 = arith.cmpi slt, %add3A_319, %sign3A_325 : i32
      %sign3A_327 = arith.extui %sign3A_326 : i1 to i32
      %sign3A_328 = arith.subi %sign3A_324, %sign3A_327 : i32
      %sign3A_329 = arith.constant 0 : i32
      %sign3A_330 = arith.cmpi sgt, %jit3A_320, %sign3A_329 : i32
      %sign3A_331 = arith.extui %sign3A_330 : i1 to i32
      %sign3A_332 = arith.constant 0 : i32
      %sign3A_333 = arith.cmpi slt, %jit3A_320, %sign3A_332 : i32
      %sign3A_334 = arith.extui %sign3A_333 : i1 to i32
      %sign3A_335 = arith.subi %sign3A_331, %sign3A_334 : i32
      %ne3A_336 = arith.cmpi ne, %sign3A_328, %sign3A_335 : i32
      %rem3A_337 = arith.remsi %add3A_319, %jit3A_320 : i32
      %ne3A_338 = arith.constant 0 : i32
      %ne3A_339 = arith.cmpi ne, %rem3A_337, %ne3A_338 : i32
      %and3A_340 = arith.andi %ne3A_336, %ne3A_339 : i1
      %sub3A_341 = arith.constant 1 : i32
      %sub3A_342 = arith.subi %div3A_321, %sub3A_341 : i32
      %select_n3A_343 = arith.select %and3A_340, %sub3A_342, %div3A_321 : i32
      %jit3A_344 = arith.constant 128 : i32
      %eq3A_345 = arith.constant 0 : i32
      %eq3A_346 = arith.cmpi eq, %jit3A_344, %eq3A_345 : i32
      %jit3A_347 = arith.constant 1 : i32
      %select_n3A_348 = arith.select %eq3A_346, %jit3A_347, %jit3A_344 : i32
      %rem3A_349 = arith.remsi %add3A_319, %select_n3A_348 : i32
      %ne3A_350 = arith.constant 0 : i32
      %ne3A_351 = arith.cmpi ne, %rem3A_349, %ne3A_350 : i32
      %lt3A_352 = arith.constant 0 : i32
      %lt3A_353 = arith.cmpi slt, %rem3A_349, %lt3A_352 : i32
      %lt3A_354 = arith.constant 0 : i32
      %lt3A_355 = arith.cmpi slt, %select_n3A_348, %lt3A_354 : i32
      %ne3A_356 = arith.xori %lt3A_353, %lt3A_355 : i1
      %and3A_357 = arith.andi %ne3A_356, %ne3A_351 : i1
      %add3A_358 = arith.addi %rem3A_349, %select_n3A_348 : i32
      %select_n3A_359 = arith.select %and3A_357, %add3A_358, %rem3A_349 : i32
      %mul3A_360 = arith.constant 128 : i32
      %mul3A_361 = arith.muli %select_n3A_359, %mul3A_360 : i32
      %dma_start3A_362 = arith.constant 0 : i32
      %dma_start3A_363 = arith.constant 0 : i32
      %dma_start3A_364 = tpu.memref_slice %arg6[%rem3A_293, %dma_start3A_362, %dma_start3A_363] : memref<2x1024x32xf32, #tpu.memory_space<vmem>> -> memref<1x1024x32xf32, #tpu.memory_space<vmem>>
      %dma_start3A_365 = tpu.memref_squeeze %dma_start3A_364 : memref<1x1024x32xf32, #tpu.memory_space<vmem>> -> memref<1024x32xf32, #tpu.memory_space<vmem>>
      %dma_start3A_366 = arith.constant 0 : i32
      %dma_start3A_367 = tpu.memref_slice %arg4[%select_n3A_343, %mul3A_361, %dma_start3A_366] : memref<50x16384x32xf32, #tpu.memory_space<hbm>> -> memref<1x1024x32xf32, #tpu.memory_space<hbm>>
      %dma_start3A_368 = tpu.memref_squeeze %dma_start3A_367 : memref<1x1024x32xf32, #tpu.memory_space<hbm>> -> memref<1024x32xf32, #tpu.memory_space<hbm>>
      %dma_start3A_369 = tpu.memref_slice %arg8[%rem3A_293] : memref<2x!tpu.dma_semaphore, #tpu.memory_space<semaphore_mem>> -> memref<1x!tpu.dma_semaphore, #tpu.memory_space<semaphore_mem>>
      %dma_start3A_370 = tpu.memref_squeeze %dma_start3A_369 : memref<1x!tpu.dma_semaphore, #tpu.memory_space<semaphore_mem>> -> memref<!tpu.dma_semaphore, #tpu.memory_space<semaphore_mem>>
      %dma_start3A_371 = arith.constant 0 : i32
      %dma_start3A_372 = tpu.memref_slice %arg4[%select_n3A_343, %mul3A_361, %dma_start3A_371] : memref<50x16384x32xf32, #tpu.memory_space<hbm>> -> memref<1x1024x32xf32, #tpu.memory_space<hbm>>
      %dma_start3A_373 = tpu.memref_squeeze %dma_start3A_372 : memref<1x1024x32xf32, #tpu.memory_space<hbm>> -> memref<1024x32xf32, #tpu.memory_space<hbm>>
      %dma_start3A_374 = arith.constant 0 : i32
      %dma_start3A_375 = arith.constant 0 : i32
      %dma_start3A_376 = tpu.memref_slice %arg6[%rem3A_293, %dma_start3A_374, %dma_start3A_375] : memref<2x1024x32xf32, #tpu.memory_space<vmem>> -> memref<1x1024x32xf32, #tpu.memory_space<vmem>>
      %dma_start3A_377 = tpu.memref_squeeze %dma_start3A_376 : memref<1x1024x32xf32, #tpu.memory_space<vmem>> -> memref<1024x32xf32, #tpu.memory_space<vmem>>
      tpu.enqueue_dma source(%dma_start3A_377 : memref<1024x32xf32, #tpu.memory_space<vmem>>) target(%dma_start3A_373 : memref<1024x32xf32, #tpu.memory_space<hbm>>) target_semaphore(%dma_start3A_370 : memref<!tpu.dma_semaphore, #tpu.memory_space<semaphore_mem>>)
    }
    %scan3A_159 = arith.constant 25 : i32
    %rem3A_160 = arith.constant 24 : i32
    %rem3A_161 = arith.constant 2 : i32
    %rem3A_162 = arith.remsi %rem3A_160, %rem3A_161 : i32
    %add3A_163 = arith.constant 192 : i32
    %add3A_164 = arith.addi %mul3A_2, %add3A_163 : i32
    %jit3A_165 = arith.constant 128 : i32
    %div3A_166 = arith.divsi %add3A_164, %jit3A_165 : i32
    %sign3A_167 = arith.constant 0 : i32
    %sign3A_168 = arith.cmpi sgt, %add3A_164, %sign3A_167 : i32
    %sign3A_169 = arith.extui %sign3A_168 : i1 to i32
    %sign3A_170 = arith.constant 0 : i32
    %sign3A_171 = arith.cmpi slt, %add3A_164, %sign3A_170 : i32
    %sign3A_172 = arith.extui %sign3A_171 : i1 to i32
    %sign3A_173 = arith.subi %sign3A_169, %sign3A_172 : i32
    %sign3A_174 = arith.constant 0 : i32
    %sign3A_175 = arith.cmpi sgt, %jit3A_165, %sign3A_174 : i32
    %sign3A_176 = arith.extui %sign3A_175 : i1 to i32
    %sign3A_177 = arith.constant 0 : i32
    %sign3A_178 = arith.cmpi slt, %jit3A_165, %sign3A_177 : i32
    %sign3A_179 = arith.extui %sign3A_178 : i1 to i32
    %sign3A_180 = arith.subi %sign3A_176, %sign3A_179 : i32
    %ne3A_181 = arith.cmpi ne, %sign3A_173, %sign3A_180 : i32
    %rem3A_182 = arith.remsi %add3A_164, %jit3A_165 : i32
    %ne3A_183 = arith.constant 0 : i32
    %ne3A_184 = arith.cmpi ne, %rem3A_182, %ne3A_183 : i32
    %and3A_185 = arith.andi %ne3A_181, %ne3A_184 : i1
    %sub3A_186 = arith.constant 1 : i32
    %sub3A_187 = arith.subi %div3A_166, %sub3A_186 : i32
    %select_n3A_188 = arith.select %and3A_185, %sub3A_187, %div3A_166 : i32
    %jit3A_189 = arith.constant 128 : i32
    %eq3A_190 = arith.constant 0 : i32
    %eq3A_191 = arith.cmpi eq, %jit3A_189, %eq3A_190 : i32
    %jit3A_192 = arith.constant 1 : i32
    %select_n3A_193 = arith.select %eq3A_191, %jit3A_192, %jit3A_189 : i32
    %rem3A_194 = arith.remsi %add3A_164, %select_n3A_193 : i32
    %ne3A_195 = arith.constant 0 : i32
    %ne3A_196 = arith.cmpi ne, %rem3A_194, %ne3A_195 : i32
    %lt3A_197 = arith.constant 0 : i32
    %lt3A_198 = arith.cmpi slt, %rem3A_194, %lt3A_197 : i32
    %lt3A_199 = arith.constant 0 : i32
    %lt3A_200 = arith.cmpi slt, %select_n3A_193, %lt3A_199 : i32
    %ne3A_201 = arith.xori %lt3A_198, %lt3A_200 : i1
    %and3A_202 = arith.andi %ne3A_201, %ne3A_196 : i1
    %add3A_203 = arith.addi %rem3A_194, %select_n3A_193 : i32
    %select_n3A_204 = arith.select %and3A_202, %add3A_203, %rem3A_194 : i32
    %mul3A_205 = arith.constant 128 : i32
    %mul3A_206 = arith.muli %select_n3A_204, %mul3A_205 : i32
    %rem3A_207 = arith.constant 24 : i32
    %rem3A_208 = arith.constant 2 : i32
    %rem3A_209 = arith.remsi %rem3A_207, %rem3A_208 : i32
    %dma_wait3A = arith.constant 0 : i32
    %dma_wait3A_210 = arith.constant 0 : i32
    %dma_wait3A_211 = tpu.memref_slice %arg6[%rem3A_162, %dma_wait3A, %dma_wait3A_210] : memref<2x1024x32xf32, #tpu.memory_space<vmem>> -> memref<1x1024x32xf32, #tpu.memory_space<vmem>>
    %dma_wait3A_212 = tpu.memref_squeeze %dma_wait3A_211 : memref<1x1024x32xf32, #tpu.memory_space<vmem>> -> memref<1024x32xf32, #tpu.memory_space<vmem>>
    %dma_wait3A_213 = arith.constant 0 : i32
    %dma_wait3A_214 = tpu.memref_slice %arg4[%select_n3A_188, %mul3A_206, %dma_wait3A_213] : memref<50x16384x32xf32, #tpu.memory_space<hbm>> -> memref<1x1024x32xf32, #tpu.memory_space<hbm>>
    %dma_wait3A_215 = tpu.memref_squeeze %dma_wait3A_214 : memref<1x1024x32xf32, #tpu.memory_space<hbm>> -> memref<1024x32xf32, #tpu.memory_space<hbm>>
    %dma_wait3A_216 = tpu.memref_slice %arg8[%rem3A_209] : memref<2x!tpu.dma_semaphore, #tpu.memory_space<semaphore_mem>> -> memref<1x!tpu.dma_semaphore, #tpu.memory_space<semaphore_mem>>
    %dma_wait3A_217 = tpu.memref_squeeze %dma_wait3A_216 : memref<1x!tpu.dma_semaphore, #tpu.memory_space<semaphore_mem>> -> memref<!tpu.dma_semaphore, #tpu.memory_space<semaphore_mem>>
    %dma_wait3A_218 = arith.constant 0 : i32
    %dma_wait3A_219 = tpu.memref_slice %arg4[%select_n3A_188, %mul3A_206, %dma_wait3A_218] : memref<50x16384x32xf32, #tpu.memory_space<hbm>> -> memref<1x1024x32xf32, #tpu.memory_space<hbm>>
    %dma_wait3A_220 = tpu.memref_squeeze %dma_wait3A_219 : memref<1x1024x32xf32, #tpu.memory_space<hbm>> -> memref<1024x32xf32, #tpu.memory_space<hbm>>
    %dma_wait3A_221 = arith.constant 0 : i32
    %dma_wait3A_222 = arith.constant 0 : i32
    %dma_wait3A_223 = tpu.memref_slice %arg6[%rem3A_162, %dma_wait3A_221, %dma_wait3A_222] : memref<2x1024x32xf32, #tpu.memory_space<vmem>> -> memref<1x1024x32xf32, #tpu.memory_space<vmem>>
    %dma_wait3A_224 = tpu.memref_squeeze %dma_wait3A_223 : memref<1x1024x32xf32, #tpu.memory_space<vmem>> -> memref<1024x32xf32, #tpu.memory_space<vmem>>
    tpu.wait_dma2 semaphore(%dma_wait3A_217 : memref<!tpu.dma_semaphore, #tpu.memory_space<semaphore_mem>>) src(%dma_wait3A_224 : memref<1024x32xf32, #tpu.memory_space<vmem>>) dst(%dma_wait3A_220 : memref<1024x32xf32, #tpu.memory_space<hbm>>)
    %rem3A_225 = arith.constant 23 : i32
    %rem3A_226 = arith.constant 2 : i32
    %rem3A_227 = arith.remsi %rem3A_225, %rem3A_226 : i32
    %add3A_228 = arith.constant 184 : i32
    %add3A_229 = arith.addi %mul3A_2, %add3A_228 : i32
    %jit3A_230 = arith.constant 128 : i32
    %div3A_231 = arith.divsi %add3A_229, %jit3A_230 : i32
    %sign3A_232 = arith.constant 0 : i32
    %sign3A_233 = arith.cmpi sgt, %add3A_229, %sign3A_232 : i32
    %sign3A_234 = arith.extui %sign3A_233 : i1 to i32
    %sign3A_235 = arith.constant 0 : i32
    %sign3A_236 = arith.cmpi slt, %add3A_229, %sign3A_235 : i32
    %sign3A_237 = arith.extui %sign3A_236 : i1 to i32
    %sign3A_238 = arith.subi %sign3A_234, %sign3A_237 : i32
    %sign3A_239 = arith.constant 0 : i32
    %sign3A_240 = arith.cmpi sgt, %jit3A_230, %sign3A_239 : i32
    %sign3A_241 = arith.extui %sign3A_240 : i1 to i32
    %sign3A_242 = arith.constant 0 : i32
    %sign3A_243 = arith.cmpi slt, %jit3A_230, %sign3A_242 : i32
    %sign3A_244 = arith.extui %sign3A_243 : i1 to i32
    %sign3A_245 = arith.subi %sign3A_241, %sign3A_244 : i32
    %ne3A_246 = arith.cmpi ne, %sign3A_238, %sign3A_245 : i32
    %rem3A_247 = arith.remsi %add3A_229, %jit3A_230 : i32
    %ne3A_248 = arith.constant 0 : i32
    %ne3A_249 = arith.cmpi ne, %rem3A_247, %ne3A_248 : i32
    %and3A_250 = arith.andi %ne3A_246, %ne3A_249 : i1
    %sub3A_251 = arith.constant 1 : i32
    %sub3A_252 = arith.subi %div3A_231, %sub3A_251 : i32
    %select_n3A_253 = arith.select %and3A_250, %sub3A_252, %div3A_231 : i32
    %jit3A_254 = arith.constant 128 : i32
    %eq3A_255 = arith.constant 0 : i32
    %eq3A_256 = arith.cmpi eq, %jit3A_254, %eq3A_255 : i32
    %jit3A_257 = arith.constant 1 : i32
    %select_n3A_258 = arith.select %eq3A_256, %jit3A_257, %jit3A_254 : i32
    %rem3A_259 = arith.remsi %add3A_229, %select_n3A_258 : i32
    %ne3A_260 = arith.constant 0 : i32
    %ne3A_261 = arith.cmpi ne, %rem3A_259, %ne3A_260 : i32
    %lt3A_262 = arith.constant 0 : i32
    %lt3A_263 = arith.cmpi slt, %rem3A_259, %lt3A_262 : i32
    %lt3A_264 = arith.constant 0 : i32
    %lt3A_265 = arith.cmpi slt, %select_n3A_258, %lt3A_264 : i32
    %ne3A_266 = arith.xori %lt3A_263, %lt3A_265 : i1
    %and3A_267 = arith.andi %ne3A_266, %ne3A_261 : i1
    %add3A_268 = arith.addi %rem3A_259, %select_n3A_258 : i32
    %select_n3A_269 = arith.select %and3A_267, %add3A_268, %rem3A_259 : i32
    %mul3A_270 = arith.constant 128 : i32
    %mul3A_271 = arith.muli %select_n3A_269, %mul3A_270 : i32
    %rem3A_272 = arith.constant 23 : i32
    %rem3A_273 = arith.constant 2 : i32
    %rem3A_274 = arith.remsi %rem3A_272, %rem3A_273 : i32
    %dma_wait3A_275 = arith.constant 0 : i32
    %dma_wait3A_276 = arith.constant 0 : i32
    %dma_wait3A_277 = tpu.memref_slice %arg6[%rem3A_227, %dma_wait3A_275, %dma_wait3A_276] : memref<2x1024x32xf32, #tpu.memory_space<vmem>> -> memref<1x1024x32xf32, #tpu.memory_space<vmem>>
    %dma_wait3A_278 = tpu.memref_squeeze %dma_wait3A_277 : memref<1x1024x32xf32, #tpu.memory_space<vmem>> -> memref<1024x32xf32, #tpu.memory_space<vmem>>
    %dma_wait3A_279 = arith.constant 0 : i32
    %dma_wait3A_280 = tpu.memref_slice %arg4[%select_n3A_253, %mul3A_271, %dma_wait3A_279] : memref<50x16384x32xf32, #tpu.memory_space<hbm>> -> memref<1x1024x32xf32, #tpu.memory_space<hbm>>
    %dma_wait3A_281 = tpu.memref_squeeze %dma_wait3A_280 : memref<1x1024x32xf32, #tpu.memory_space<hbm>> -> memref<1024x32xf32, #tpu.memory_space<hbm>>
    %dma_wait3A_282 = tpu.memref_slice %arg8[%rem3A_274] : memref<2x!tpu.dma_semaphore, #tpu.memory_space<semaphore_mem>> -> memref<1x!tpu.dma_semaphore, #tpu.memory_space<semaphore_mem>>
    %dma_wait3A_283 = tpu.memref_squeeze %dma_wait3A_282 : memref<1x!tpu.dma_semaphore, #tpu.memory_space<semaphore_mem>> -> memref<!tpu.dma_semaphore, #tpu.memory_space<semaphore_mem>>
    %dma_wait3A_284 = arith.constant 0 : i32
    %dma_wait3A_285 = tpu.memref_slice %arg4[%select_n3A_253, %mul3A_271, %dma_wait3A_284] : memref<50x16384x32xf32, #tpu.memory_space<hbm>> -> memref<1x1024x32xf32, #tpu.memory_space<hbm>>
    %dma_wait3A_286 = tpu.memref_squeeze %dma_wait3A_285 : memref<1x1024x32xf32, #tpu.memory_space<hbm>> -> memref<1024x32xf32, #tpu.memory_space<hbm>>
    %dma_wait3A_287 = arith.constant 0 : i32
    %dma_wait3A_288 = arith.constant 0 : i32
    %dma_wait3A_289 = tpu.memref_slice %arg6[%rem3A_227, %dma_wait3A_287, %dma_wait3A_288] : memref<2x1024x32xf32, #tpu.memory_space<vmem>> -> memref<1x1024x32xf32, #tpu.memory_space<vmem>>
    %dma_wait3A_290 = tpu.memref_squeeze %dma_wait3A_289 : memref<1x1024x32xf32, #tpu.memory_space<vmem>> -> memref<1024x32xf32, #tpu.memory_space<vmem>>
    tpu.wait_dma2 semaphore(%dma_wait3A_283 : memref<!tpu.dma_semaphore, #tpu.memory_space<semaphore_mem>>) src(%dma_wait3A_290 : memref<1024x32xf32, #tpu.memory_space<vmem>>) dst(%dma_wait3A_286 : memref<1024x32xf32, #tpu.memory_space<hbm>>)
    return
  }
}

</mosaic_0001>

<sc_bundles>
// kernel: _emb.3.cloned.1.call-start
scs
__scs_entry_jumppad:
0x0: {  	(pc) =	sbr.rel $0x88, $3  }
0x1: {  	(tag) =	ssettag $0x0;
	lr =	simm.s32 $0x1  }
0x2: {  	[smem:$0x3F9F] =	sst lr;
	_ =	strace $0xD0000000  }
0x3: {  	_ = 	snop  }
0x4: {  	_ = 	snop  }
0x5: {  	_ = 	snop  }
0x6: {  	_ = 	snop  }
0x7: {  	_ = 	snop  }
__scs_overlays_trampoline_lowered:
0x8: {  	[smem:$0x3FAE] =	sst s0  }
0x9: {  	[smem:$0x3FAF] =	sst s1  }
0xa: {  	[smem:$0x3FB0] =	sst s2  }
0xb: {  	[smem:$0x3FB1] =	sst s3  }
0xc: {  	[smem:$0x3FB2] =	sst s4  }
0xd: {  	[smem:$0x3FB3] =	sst s5  }
0xe: {  	[smem:$0x3FB4] =	sst s6  }
0xf: {  	[smem:$0x3FB5] =	sst s7  }
0x10: {  	[smem:$0x3FB6] =	sst s8  }
0x11: {  	[smem:$0x3FB7] =	sst s9;
	s0 =	simm.s32 @!p0 $0x0  }
0x12: {  	s1 =	sld [smem:$0x3F9D];
	s0 =	simm.s32 @p0 $0x1  }
0x13: {  	[smem:$0x3FB8] =	sst s0;
	s0 =	simm.s32 @!p1 $0x0  }
0x14: {  	s2 =	sld [smem:$0x3F9C];
	s0 =	simm.s32 @p1 $0x1  }
0x15: {  	[smem:$0x3FB9] =	sst s0;
	s0 =	simm.s32 @!p2 $0x0  }
0x16: {  	s3 =	sld [smem:$0x3FDB];
	s0 =	simm.s32 @p2 $0x1  }
0x17: {  	s4 =	simm.s32 $0x1BF5;
	[smem:$0x3FBB] =	sst s0  }
0x18: {  	s0 =	sld [smem:$0x3F9E];
	_ =	swait.ge [sflag:s4], $0x0  }
0x19: {  	s7 =	sld [smem:$0x3F9F]  }
0x1a: {  	s8 =	sadd.s32 $0xFFFFE003, lr  }
0x1b: {  	s9 =	sadd.s32 $0xFFFFFEF7, lr;
	s5 =	simm.s32 $0xFFFFFFFF;
	p2 =	slt.u32 s8, $0xFFFFF086  }
0x1c: {  	p1 =	slt.u32 s9, $0xF7A;
	s5 =	simm.s32 @!p2 $0x0  }
0x1d: {  	s5 =	simm.s32 @p1 $0x1;
	p0 =	seq.s32 s7, s2  }
0x1e: {  	s7 =	smul.u32 @!p0 $0xF7A, s2;
	p2 =	seq.s32 @!p0 s5, $0x0  }
0x1f: {  	s9 =	smul.u32 $0xF7A, s1;
	s8 =	simm.s32 @!p0 $0x1BF5;
	p2 =	por !p2, p0  }
0x20: {  	[sflag:s8] =	ssyncset.s32 @!p0 $0xFFFFF086;
	s6 =	sadd.s32 @!p0 s3, s7;
	s7 =	simm.s32 @!p0 $0x108  }
0x21: {  	s3 =	sadd.s32 s3, s9;
	s6 =	sadd.s32 @!p0 $0x88, s6;
	s7 =	simm.s32 @p2 $0x1082  }
0x22: {  	[simem:s7], [sflag:s8] =	dma.local @!p0 [hbm:s6], $0xF7A  }
0x23: {  	s9 =	sor.u32 $0xD0000000, s2;
	s6 =	simm.s32 $0x108;
	_ =	swait.ge @!p0 [sflag:s8], $0x0  }
0x24: {  	s3 =	sadd.s32 $0x88, s3;
	s6 =	simm.s32 @!p1 $0x1082;
	[sflag:s4] =	ssyncset.s32 $0xFFFFF086  }
0x25: {  	[simem:s6], [sflag:s4] =	dma.local [hbm:s3], $0xF7A  }
0x26: {  	[smem:$0x3F9F] =	sst s1;
	(tag) =	ssettag s2;
	_ =	strace s9  }
0x27: {  	s1 =	sld [smem:$0x3FAF]  }
0x28: {  	s2 =	sld [smem:$0x3FB0]  }
0x29: {  	s4 =	sld [smem:$0x3FB2]  }
0x2a: {  	p0 =	seq.s32 s5, $0x0;
	s5 =	sld [smem:$0x3FB3]  }
0x2b: {  	s6 =	sld [smem:$0x3FB4]  }
0x2c: {  	s7 =	sld [smem:$0x3FB5]  }
0x2d: {  	s3 =	simm.s32 $0x108;
	s8 =	sld [smem:$0x3FB6]  }
0x2e: {  	s3 =	simm.s32 @!p0 $0x1082;
	s9 =	sld [smem:$0x3FB7]  }
0x2f: {  	lr =	sadd.s32 s0, s3;
	s0 =	sld [smem:$0x3FAE]  }
0x30: {  	s3 =	sld [smem:$0x3FB1]  }
0x31: {  	[smem:$0x3FBA] =	sst s10  }
0x32: {  	s10 =	sld [smem:$0x3FB8];
	_ =	sdelay $0x3  }
0x33: {  	p0 =	seq.s32 s10, $0x1;
	s10 =	sld [smem:$0x3FBA];
	_ =	sdelay $0x3  }
0x34: {  	[smem:$0x3FBA] =	sst s10  }
0x35: {  	s10 =	sld [smem:$0x3FB9];
	_ =	sdelay $0x3  }
0x36: {  	p1 =	seq.s32 s10, $0x1;
	s10 =	sld [smem:$0x3FBA];
	_ =	sdelay $0x3  }
0x37: {  	[smem:$0x3FBA] =	sst s10  }
0x38: {  	s10 =	sld [smem:$0x3FBB]  }
0x39: {  	_ = 	snop;
	(pc) =	sbr.ind lr, $3  }
0x3a: {  	_ = 	snop  }
0x3b: {  	_ = 	snop  }
0x3c: {  	p2 =	seq.s32 s10, $0x1;
	s10 =	sld [smem:$0x3FBA]  }
0x3d: {  	_ =	shalt  }
0x3e: {  	_ =	shalt  }
0x3f: {  	_ =	shalt  }
0x40: {  	_ =	shalt  }
0x41: {  	_ =	shalt  }
0x42: {  	_ =	shalt  }
0x43: {  	_ =	shalt  }
0x44: {  	_ =	shalt  }
0x45: {  	_ =	shalt  }
0x46: {  	_ =	shalt  }
0x47: {  	_ =	shalt  }
0x48: {  	_ =	shalt  }
0x49: {  	_ =	shalt  }
0x4a: {  	_ =	shalt  }
0x4b: {  	_ =	shalt  }
0x4c: {  	_ =	shalt  }
0x4d: {  	_ =	shalt  }
0x4e: {  	_ =	shalt  }
0x4f: {  	_ =	shalt  }
0x50: {  	_ =	shalt  }
0x51: {  	_ =	shalt  }
0x52: {  	_ =	shalt  }
0x53: {  	_ =	shalt  }
0x54: {  	_ =	shalt  }
0x55: {  	_ =	shalt  }
0x56: {  	_ =	shalt  }
0x57: {  	_ =	shalt  }
0x58: {  	_ =	shalt  }
0x59: {  	_ =	shalt  }
0x5a: {  	_ =	shalt  }
0x5b: {  	_ =	shalt  }
0x5c: {  	_ =	shalt  }
0x5d: {  	_ =	shalt  }
0x5e: {  	_ =	shalt  }
0x5f: {  	_ =	shalt  }
0x60: {  	_ =	shalt  }
0x61: {  	_ =	shalt  }
0x62: {  	_ =	shalt  }
0x63: {  	_ =	shalt  }
0x64: {  	_ =	shalt  }
0x65: {  	_ =	shalt  }
0x66: {  	_ =	shalt  }
0x67: {  	_ =	shalt  }
0x68: {  	_ =	shalt  }
0x69: {  	_ =	shalt  }
0x6a: {  	_ =	shalt  }
0x6b: {  	_ =	shalt  }
0x6c: {  	_ =	shalt  }
0x6d: {  	_ =	shalt  }
0x6e: {  	_ =	shalt  }
0x6f: {  	_ =	shalt  }
0x70: {  	_ =	shalt  }
0x71: {  	_ =	shalt  }
0x72: {  	_ =	shalt  }
0x73: {  	_ =	shalt  }
0x74: {  	_ =	shalt  }
0x75: {  	_ =	shalt  }
0x76: {  	_ =	shalt  }
0x77: {  	_ =	shalt  }
0x78: {  	_ =	shalt  }
0x79: {  	_ =	shalt  }
0x7a: {  	_ =	shalt  }
0x7b: {  	_ =	shalt  }
0x7c: {  	_ =	shalt  }
0x7d: {  	_ =	shalt  }
0x7e: {  	_ =	shalt  }
0x7f: {  	_ =	shalt  }
0x80: {  	_ =	shalt  }
0x81: {  	_ =	shalt  }
0x82: {  	_ =	shalt  }
0x83: {  	_ =	shalt  }
0x84: {  	_ =	shalt  }
0x85: {  	_ =	shalt  }
0x86: {  	_ =	shalt  }
0x87: {  	_ =	shalt  }
.Lfunc_end0:
.L_simem_size_0:
called_computation.1_lowered:
.L_overlay_start_0:
0x88: {  	s2 =	sld [smem:$0x3FD9]  }
0x89: {  	s3 =	sld [smem:$0x3FFE];
	_ =	sdelay $0x1  }
0x8a: {  	s1 =	srdreg.scid  }
0x8b: {  	s0 =	sand.u32 $0x1, s1  }
0x8c: {  	s17 =	sshll.u32 s0, $0xA;
	s2 =	sadd.s32 s3, s2  }
0x8d: {  	s2 =	sadd.s32 s2, s17  }
0x8e: {  	[smem:$0x3FC6] =	sst s2  }
0x8f: {  	_ = 	snop  }
0x90: {  	s2 =	sld [smem:$0x3FD0];
	(tm) =	ssettm $0x1  }
0x91: {  	s18 =	sld [smem:$0x3FFB];
	_ =	sdelay $0x3  }
0x92: {  	_ =	strace s18  }
0x93: {  	s3 =	sld [smem:$0x3FFC];
	_ =	sdelay $0x3  }
0x94: {  	_ =	strace s3  }
0x95: {  	s3 =	sld [smem:$0x3FFD];
	_ =	sdelay $0x3  }
0x96: {  	_ =	strace s3  }
0x97: {  	_ =	strace $0x8FFFFFFF  }
0x98: {  	s19 =	sld [smem:$0x3FDB];
	_ =	sdelay $0x1  }
0x99: {  	s4 =	simm.s32 $_scs_section_size  }
0x9a: {  	s5 =	simm.s32 $_size__tile_overlayer_lowered;
	s6 =	simm.s32 $_tile_overlayer_lowered  }
0x9b: {  	s22 =	simm.s32 $0x1BFF;
	s21 =	sshll.u32 s6, $0x1;
	s3 =	sadd.s32 s4, s19  }
0x9c: {  	s7 =	simm.s32 $0x0;
	s20 =	sshll.u32 s5, $0x1;
	s5 =	sadd.s32 s21, s3  }
0x9d: {  	[timem:s7], [sflag:s22] =	dma.local [hbm:s5], s20  }
0x9e: {  	_ =	swait.ge [sflag:s22], s20  }
0x9f: {  	s4 =	ssub.s32 $0x0, s20;
	[sflag:s22] =	ssyncset.done $0x0  }
0xa0: {  	[sflag:s22] =	ssyncadd.s32 s4;
	_ =	sdelay $0x1  }
0xa1: {  	s23 =	simm.s32 $0x1B8B  }
0xa2: {  	_ =	swait.ge [sflag:s23], $0x1  }
0xa3: {  	[sflag:s23] =	ssyncset.done $0x0  }
0xa4: {  	s25 =	simm.s32 $0x1B8E;
	s24 =	sld [smem:$0x3FFE];
	[sflag:s23] =	ssyncadd.s32 $0xFFFFFFFF  }
0xa5: {  	s26 =	simm.s32 $execute0_lowered;
	[smem:$0x3FD2] =	sst s25  }
0xa6: {  	s5 =	sshll.u32 s26, $0x1;
	_ =	strace $0x80000046;
	[dreg:$0x1] =	wrdreg $0xFFFFFFFF  }
0xa7: {  	s28 =	simm.s32 $_size_execute0_lowered;
	s3 =	sadd.s32 s3, s5;
	[dreg:$0x0] =	wrdreg $0x0  }
0xa8: {  	s5 =	sshll.u32 s28, $0x1;
	[dreg:$0x2] =	wrdreg s3  }
0xa9: {  	[dreg:$0x3] =	wrdreg s5  }
0xaa: {  	[dreg:$0x4] =	wrdreg $0xC0  }
0xab: {  	_ =	task [dreg:s7], $0x5FFFF  }
0xac: {  	[dreg:$0x1] =	wrdreg $0xFFFFFFFF  }
0xad: {  	[dreg:$0x0] =	wrdreg $0x60  }
0xae: {  	[dreg:$0x2] =	wrdreg s24  }
0xaf: {  	[dreg:$0x3] =	wrdreg s2  }
0xb0: {  	[dreg:$0x4] =	wrdreg $0x9  }
0xb1: {  	_ =	task.clear_ibuf [dreg:s7], $0x5FFFF;
	_ =	strace $0x90000046  }
0xb2: {  	s29 =	simm.s32 $0x9;
	_ =	strace $0x80000048  }
0xb3: {  	_ =	swait.ge [sflag:s29], $0x1  }
0xb4: {  	[sflag:s29] =	ssyncadd.s32 $0xFFFFFFFF  }
0xb5: {  	_ =	strace $0x90000048  }
0xb6: {  	_ =	sfence  }
0xb7: {  	s30 =	sld [smem:$0x0];
	_ =	sdelay $0x2  }
0xb8: {  	s31 =	sshll.u32 s1, $0xD;
	s1 =	sshrl.u32 s1, $0x2  }
0xb9: {  	s3 =	sand.u32 $0x4000, s31;
	s1 =	sadd.s32 s1, s30  }
0xba: {  	s0 =	sor.u32 s3, s0;
	s1 =	sshll.u32 s1, $0x11  }
0xbb: {  	s0 =	sor.u32 s1, s0  }
0xbc: {  	s0 =	sadd.s32 $0x8F2B, s0  }
0xbd: {  	[sflag:s0] =	ssyncadd.remote.s32 $0x1  }
0xbe: {  	_ =	sfence.sel $0xFFFF  }
0xbf: {  	[dreg:$0x0] =	wrdreg $0xFFFFFFFF;
	(pc) =	sbr.abs _section_cstart, $3  }
0xc0: {  	[dreg:$0x1] =	wrdreg $0xFFFFFFFF  }
0xc1: {  	_ =	task.clear_ibuf [dreg:s7], $0x2FFFF;
	_ =	strace $0x9FFFFFFF  }
0xc2: {  	(tm) =	ssettm $0x7FFFFFFF  }
0xc3: {  	_ =	shalt  }
tec
execute0_lowered:
.L_overlay_start_1:
0x0: {  	(tag) =	ssettag $0x1  }
0x1: {  	s1 =	rddreg [dreg:$0x0];
	s2 =	srdreg.scid  }
0x2: {  	s0 =	stileid.u32;
	s6 =	rddreg [dreg:$0x1]  }
0x3: {  	s13 =	simm.s32 $0x2800;
	s14 =	simm.s32 $0x180;
	s15 =	simm.s32 $0x3800  }
0x4: {  	s16 =	simm.s32 $0x200;
	s17 =	simm.s32 $0x4800;
	s18 =	simm.s32 $0x280  }
0x5: {  	s19 =	simm.s32 $0x5800;
	s20 =	simm.s32 $0x300;
	s21 =	simm.s32 $0x6800  }
0x6: {  	s22 =	simm.s32 $0x380;
	s23 =	simm.s32 $0x7800;
	s24 =	simm.s32 $0x3  }
0x7: {  	s25 =	simm.s32 $0x4;
	s26 =	simm.s32 $0x0;
	s9 =	smul.u32 $0x32000, s0  }
0x8: {  	s5 =	sand.u32 $0x1, s2;
	s3 =	sshll.u32 s0, $0x1;
	s29 =	smul.u32 $0x1900, s0  }
0x9: {  	s2 =	simm.s32 $0x0;
	s8 =	sadd.s32 $0xA00, s1;
	s30 =	smul.u32 $0xC80, s5  }
0xa: {  	s3 =	sor.u32 s5, s3;
	[smem:$0x7FF] =	sst s2;
	s11 =	smul.u32 $0x19000, s5  }
0xb: {  	s28 =	ssub.s32 $0x2, s5;
	s4 =	smul.u32 $0x6400, s3;
	_ =	strace $0x80000047  }
0xc: {  	s7 =	smul.u32 $0x2400, s3;
	s3 =	sadd.s32 $0x3D09A00, s1;
	s10 =	sshrl.u32 s28, $0x1  }
.Ltmp0:
0xd: {  	s31 =	sadd.s32 s9, s6;
	s9 =	simm.s32 $0x80;
	(pc) =	sbr.rel .LBB2_1-.Ltmp0, $4  }
0xe: {  	s1 =	ssub.s32 s28, s10;
	s4 =	sand.u32 $0xFC000, s4;
	s7 =	sand.u32 $0x3C00, s7  }
0xf: {  	s6 =	sadd.s32 s11, s31;
	s4 =	sor.u32 s7, s4;
	s7 =	sadd.s32 s29, s8  }
0x10: {  	s5 =	smax.u32 s1, $0x1;
	s4 =	sshrl.u32 s4, $0x3;
	s7 =	sadd.s32 s30, s7  }
0x11: {  	s4 =	sadd.s32 s8, s4;
	s7 =	sadd.s32 $0x80, s7;
	s8 =	simm.s32 $0x5  }
.LBB2_7:
0x12: {  	s26 =	sadd.s32 $0x1, s26  }
0x13: {  	_ =	swait.ge [sflag:s24], $0x8000;
	p0 =	sne.s32 s26, s5  }
.Ltmp1:
0x14: {  	[sflag:s24] =	ssyncset.done $0x0;
	(pc) =	sbr.rel @!p0 .LBB2_8-.Ltmp1, $4  }
0x15: {  	[sflag:s24] =	ssyncadd.s32 $0xFFFF8000  }
0x16: {  	_ =	swait.ge [sflag:s25], $0x8000  }
0x17: {  	[sflag:s25] =	ssyncset.done $0x0  }
0x18: {  	[sflag:s25] =	ssyncadd.s32 $0xFFFF8000  }
.LBB2_1:
0x19: {  	[tilespmem:s2], [sflag:$0x5] =	stream.linear.gather [hbm4b:s4+s2], $0x400, $0x38;
	[tilespmem:$0x10800] =	vst v63  }
0x1a: {  	_ =	swait.ge [sflag:s8], $0x400  }
0x1b: {  	[sflag:s8] =	ssyncset.done $0x0  }
0x1c: {  	s0 =	simm.s32 $0x800;
	[sflag:s8] =	ssyncadd.s32 $0xFFFFFC00  }
0x1d: {  	[tilespmem:s0], [sflag:$0x1] =	stream.indirect.gather [hbm4b:s3+s9], $0x20, s2, s9, $0xb8;
	[tilespmem:$0x10800] =	vst v63  }
0x1e: {  	s12 =	simm.s32 $0x1800  }
0x1f: {  	[tilespmem:s12], [sflag:$0x1] =	stream.indirect.gather [hbm4b:s3+s9], $0x20, s9, s9, $0xb8;
	[tilespmem:$0x10800] =	vst v63  }
0x20: {  	s31 =	simm.s32 $0x100  }
0x21: {  	[tilespmem:s13], [sflag:$0x1] =	stream.indirect.gather [hbm4b:s3+s9], $0x20, s31, s9, $0xb8;
	[tilespmem:$0x10800] =	vst v63  }
0x22: {  	_ = 	snop  }
0x23: {  	[tilespmem:s15], [sflag:$0x1] =	stream.indirect.gather [hbm4b:s3+s9], $0x20, s14, s9, $0xb8;
	[tilespmem:$0x10800] =	vst v63  }
0x24: {  	_ = 	snop  }
0x25: {  	[tilespmem:s17], [sflag:$0x1] =	stream.indirect.gather [hbm4b:s3+s9], $0x20, s16, s9, $0xb8;
	[tilespmem:$0x10800] =	vst v63  }
0x26: {  	_ = 	snop  }
0x27: {  	[tilespmem:s19], [sflag:$0x1] =	stream.indirect.gather [hbm4b:s3+s9], $0x20, s18, s9, $0xb8;
	[tilespmem:$0x10800] =	vst v63  }
.Ltmp2:
0x28: {  	_ = 	snop;
	(pc) =	sbr.rel .LBB2_2-.Ltmp2, $4  }
0x29: {  	_ = 	snop  }
0x2a: {  	[tilespmem:s21], [sflag:$0x1] =	stream.indirect.gather [hbm4b:s3+s9], $0x20, s20, s9, $0xb8;
	[tilespmem:$0x10800] =	vst v63  }
0x2b: {  	s28 =	smov.u32 s7;
	s29 =	smov.u32 s6;
	s30 =	simm.s32 $0x0  }
0x2c: {  	[tilespmem:s23], [sflag:$0x1] =	stream.indirect.gather [hbm4b:s3+s9], $0x20, s22, s9, $0xb8;
	[tilespmem:$0x10800] =	vst v63  }
.LBB2_5:
0x2d: {  	s0 =	sshll.u32 s1, $0xA  }
0x2e: {  	[tilespmem:s0], [sflag:$0x5] =	stream.linear.gather [hbm4b:s28+s2], $0x400, $0x38;
	[tilespmem:$0x10800] =	vst v63  }
0x2f: {  	_ =	swait.ge [sflag:s8], $0x400  }
0x30: {  	s10 =	sshll.u32 s1, $0xF;
	[sflag:s8] =	ssyncset.done $0x0  }
0x31: {  	s1 =	sadd.s32 $0x1, s1;
	s11 =	sor.u32 $0x800, s10;
	[sflag:s8] =	ssyncadd.s32 $0xFFFFFC00  }
0x32: {  	[tilespmem:s11], [sflag:s1] =	stream.indirect.gather [hbm4b:s3+s9], $0x20, s0, s9, $0xb8;
	[tilespmem:$0x10800] =	vst v63  }
0x33: {  	s12 =	sor.u32 $0x80, s0;
	s11 =	sor.u32 $0x1800, s10  }
0x34: {  	[tilespmem:s11], [sflag:s1] =	stream.indirect.gather [hbm4b:s3+s9], $0x20, s12, s9, $0xb8;
	[tilespmem:$0x10800] =	vst v63  }
0x35: {  	s11 =	sor.u32 $0x2800, s10;
	s12 =	sor.u32 $0x100, s0  }
0x36: {  	[tilespmem:s11], [sflag:s1] =	stream.indirect.gather [hbm4b:s3+s9], $0x20, s12, s9, $0xb8;
	[tilespmem:$0x10800] =	vst v63  }
0x37: {  	s11 =	sor.u32 $0x3800, s10;
	s12 =	sor.u32 $0x180, s0  }
0x38: {  	[tilespmem:s11], [sflag:s1] =	stream.indirect.gather [hbm4b:s3+s9], $0x20, s12, s9, $0xb8;
	[tilespmem:$0x10800] =	vst v63  }
0x39: {  	s11 =	sor.u32 $0x4800, s10;
	s12 =	sor.u32 $0x200, s0  }
0x3a: {  	[tilespmem:s11], [sflag:s1] =	stream.indirect.gather [hbm4b:s3+s9], $0x20, s12, s9, $0xb8;
	[tilespmem:$0x10800] =	vst v63  }
0x3b: {  	s11 =	sor.u32 $0x5800, s10;
	s12 =	sor.u32 $0x280, s0  }
0x3c: {  	[tilespmem:s11], [sflag:s1] =	stream.indirect.gather [hbm4b:s3+s9], $0x20, s12, s9, $0xb8;
	[tilespmem:$0x10800] =	vst v63  }
0x3d: {  	s11 =	sor.u32 $0x6800, s10;
	s12 =	sor.u32 $0x300, s0  }
0x3e: {  	[tilespmem:s11], [sflag:s1] =	stream.indirect.gather [hbm4b:s3+s9], $0x20, s12, s9, $0xb8;
	[tilespmem:$0x10800] =	vst v63  }
0x3f: {  	s10 =	sor.u32 $0x7800, s10;
	s0 =	sor.u32 $0x380, s0  }
0x40: {  	[tilespmem:s10], [sflag:s1] =	stream.indirect.gather [hbm4b:s3+s9], $0x20, s0, s9, $0xb8;
	[tilespmem:$0x10800] =	vst v63  }
.LBB2_6:
0x41: {  	s30 =	sadd.s32 $0x1, s30  }
0x42: {  	s0 =	sadd.s32 $0x1, s31;
	p0 =	sne.s32 s30, $0x19  }
.Ltmp3:
0x43: {  	_ =	swait.ge [sflag:s0], $0x8000;
	(pc) =	sbr.rel @!p0 .LBB2_7-.Ltmp3, $4  }
0x44: {  	s1 =	sshll.u32 s31, $0xF;
	[sflag:s0] =	ssyncset.done $0x0  }
0x45: {  	s31 =	sadd.s32 $0x3, s31;
	s1 =	sor.u32 $0x800, s1;
	[sflag:s0] =	ssyncadd.s32 $0xFFFF8000  }
0x46: {  	[hbm4b:s29+s2] =	stream.linear.scatter [tilespmem:s1], [sflag:s31], $0x8000, $0x38;
	[tilespmem:$0x10800] =	vst v63  }
0x47: {  	s28 =	sadd.s32 $0x80, s28;
	s29 =	sadd.s32 $0x1000, s29  }
.LBB2_2:
0x48: {  	p0 =	seq.s32 s30, $0x0  }
.Ltmp4:
0x49: {  	_ = 	snop;
	(pc) =	sbr.rel @p0 .LBB2_5-.Ltmp4, $3  }
0x4a: {  	_ =	sdelay $0x1  }
0x4b: {  	s31 =	sand.u32 $0x1, s30  }
0x4c: {  	s1 =	sxor.u32 $0x1, s31  }
0x4d: {  	p0 =	seq.s32 s30, $0x18  }
.Ltmp5:
0x4e: {  	_ = 	snop;
	(pc) =	sbr.rel @p0 .LBB2_6-.Ltmp5, $1  }
0x4f: {  	_ =	sdelay $0x3  }
.Ltmp6:
0x50: {  	(pc) =	sbr.rel .LBB2_5-.Ltmp6, $4  }
0x51: {  	s0 =	sadd.s32 $0x3, s1  }
0x52: {  	_ =	swait.ge [sflag:s0], $0x8000  }
0x53: {  	[sflag:s0] =	ssyncset.done $0x0  }
0x54: {  	[sflag:s0] =	ssyncadd.s32 $0xFFFF8000  }
.LBB2_8:
0x55: {  	_ =	sfence.sel $0x180000  }
0x56: {  	[bflag:$0x0] =	sbarrier.arrive $0xFFFF  }
0x57: {  	_ =	strace $0x90000047  }
0x58: {  	s0 =	stileid.u32;
	[bflag:$0x2] =	sbarrier.arrive $0xFFFF  }
0x59: {  	p0 =	sne.s32 s0, $0x0;
	s0 =	rddreg [dreg:$0x2]  }
0x5a: {  	s0 =	sadd.s32 @!p0 $0x100000, s0  }
0x5b: {  	[sflag:s0] =	ssyncadd.tile.s32 @!p0 $0x1;
	_ =	shalt  }
.Lfunc_end2:
_tile_overlayer_lowered:
.L_overlay_start_2:
0x5c: {  	(tag) =	ssettag $0x2  }
0x5d: {  	s0 =	rddreg [dreg:$0x0];
	s2 =	stileid.u32  }
0x5e: {  	s1 =	rddreg [dreg:$0x1];
	p0 =	sne.s32 s2, $0x0  }
0x5f: {  	s3 =	rddreg [dreg:$0x2];
	[bflag:$0x3] =	sbarrier.arrive $0xFFFF;
	s2 =	simm.s32 @!p0 $0x1C05  }
0x60: {  	[timem:s3], [sflag:s2] =	dma.local @!p0 [hbm:s0], s1  }
0x61: {  	s0 =	simm.s32 @!p0 $0x5  }
0x62: {  	_ =	swait.ge @!p0 [sflag:s0], s1  }
0x63: {  	s1 =	ssub.s32 @!p0 $0x0, s1;
	[sflag:s0] =	ssyncset.done @!p0 $0x0  }
0x64: {  	[sflag:s0] =	ssyncadd.s32 @!p0 s1  }
0x65: {  	[bflag:$0x3] =	sbarrier.arrive $0xFFFF  }
0x66: {  	_ =	shalt  }

// kernel: sparse-core-data-format-call.cloned.1.call-start
scs
called_computation_lowered:
.L_overlay_start_0:
0x0: {  	s2 =	sld [smem:$0x3FD9]  }
0x1: {  	s3 =	sld [smem:$0x3FFE];
	_ =	sdelay $0x1  }
0x2: {  	s1 =	srdreg.scid  }
0x3: {  	s0 =	sand.u32 $0x1, s1  }
0x4: {  	s18 =	sshll.u32 s0, $0xA;
	s2 =	sadd.s32 s3, s2  }
0x5: {  	s2 =	sadd.s32 s2, s18  }
0x6: {  	[smem:$0x3FC6] =	sst s2  }
0x7: {  	_ = 	snop  }
0x8: {  	s2 =	sld [smem:$0x3FD0];
	(tm) =	ssettm $0x1  }
0x9: {  	s19 =	sld [smem:$0x3FFB];
	_ =	sdelay $0x3  }
0xa: {  	_ =	strace s19  }
0xb: {  	s3 =	sld [smem:$0x3FFC];
	_ =	sdelay $0x3  }
0xc: {  	_ =	strace s3  }
0xd: {  	s3 =	sld [smem:$0x3FFD];
	_ =	sdelay $0x3  }
0xe: {  	_ =	strace s3  }
0xf: {  	_ =	strace $0x8FFFFFFF  }
0x10: {  	s20 =	sld [smem:$0x3FDB];
	_ =	sdelay $0x1  }
0x11: {  	s4 =	simm.s32 $_scs_section_size  }
0x12: {  	s5 =	simm.s32 $_size__tile_overlayer_lowered;
	s6 =	simm.s32 $_tile_overlayer_lowered  }
0x13: {  	s23 =	simm.s32 $0x1BFF;
	s22 =	sshll.u32 s6, $0x1;
	s3 =	sadd.s32 s4, s20  }
0x14: {  	s7 =	simm.s32 $0x0;
	s21 =	sshll.u32 s5, $0x1;
	s5 =	sadd.s32 s22, s3  }
0x15: {  	[timem:s7], [sflag:s23] =	dma.local [hbm:s5], s21  }
0x16: {  	_ =	swait.ge [sflag:s23], s21  }
0x17: {  	s4 =	ssub.s32 $0x0, s21;
	[sflag:s23] =	ssyncset.done $0x0  }
0x18: {  	[sflag:s23] =	ssyncadd.s32 s4;
	_ =	sdelay $0x1  }
0x19: {  	s24 =	simm.s32 $0x1B8B  }
0x1a: {  	_ =	swait.ge [sflag:s24], $0x1  }
0x1b: {  	[sflag:s24] =	ssyncset.done $0x0  }
0x1c: {  	s26 =	simm.s32 $0x1B8E;
	s25 =	sld [smem:$0x3FFE];
	[sflag:s24] =	ssyncadd.s32 $0xFFFFFFFF  }
0x1d: {  	s27 =	simm.s32 $execute0_lowered;
	[smem:$0x3FD2] =	sst s26  }
0x1e: {  	s5 =	sshll.u32 s27, $0x1;
	_ =	strace $0x80000049;
	[dreg:$0x1] =	wrdreg $0xFFFFFFFF  }
0x1f: {  	s28 =	simm.s32 $_size_execute0_lowered;
	s3 =	sadd.s32 s3, s5;
	[dreg:$0x0] =	wrdreg $0x0  }
0x20: {  	s5 =	sshll.u32 s28, $0x1;
	[dreg:$0x2] =	wrdreg s3  }
0x21: {  	[dreg:$0x3] =	wrdreg s5  }
0x22: {  	[dreg:$0x4] =	wrdreg $0xC0  }
0x23: {  	_ =	task [dreg:s7], $0x5FFFF  }
0x24: {  	[dreg:$0x1] =	wrdreg $0xFFFFFFFF  }
0x25: {  	[dreg:$0x0] =	wrdreg $0x60  }
0x26: {  	[dreg:$0x2] =	wrdreg s25  }
0x27: {  	[dreg:$0x3] =	wrdreg s2  }
0x28: {  	[dreg:$0x4] =	wrdreg $0x9  }
0x29: {  	_ =	task.clear_ibuf [dreg:s7], $0x5FFFF;
	_ =	strace $0x90000049  }
0x2a: {  	s29 =	simm.s32 $0x9;
	_ =	strace $0x8000004B  }
0x2b: {  	_ =	swait.ge [sflag:s29], $0x1  }
0x2c: {  	[sflag:s29] =	ssyncadd.s32 $0xFFFFFFFF  }
0x2d: {  	_ =	strace $0x9000004B  }
0x2e: {  	_ =	sfence  }
0x2f: {  	s30 =	sld [smem:$0x0];
	_ =	sdelay $0x2  }
0x30: {  	s31 =	sshll.u32 s1, $0xD;
	s1 =	sshrl.u32 s1, $0x2  }
0x31: {  	s3 =	sand.u32 $0x4000, s31;
	s1 =	sadd.s32 s1, s30  }
0x32: {  	s0 =	sor.u32 s3, s0;
	s1 =	sshll.u32 s1, $0x11  }
0x33: {  	s0 =	sor.u32 s1, s0  }
0x34: {  	s0 =	sadd.s32 $0x8F2B, s0  }
0x35: {  	[sflag:s0] =	ssyncadd.remote.s32 $0x1  }
0x36: {  	_ =	sfence.sel $0xFFFF  }
0x37: {  	[dreg:$0x0] =	wrdreg $0xFFFFFFFF;
	(pc) =	sbr.abs _section_cstart, $3  }
0x38: {  	[dreg:$0x1] =	wrdreg $0xFFFFFFFF  }
0x39: {  	_ =	task.clear_ibuf [dreg:s7], $0x2FFFF;
	_ =	strace $0x9FFFFFFF  }
0x3a: {  	(tm) =	ssettm $0x7FFFFFFF  }
0x3b: {  	_ =	shalt  }
tec
execute0_lowered:
.L_overlay_start_1:
0x0: {  	(tag) =	ssettag $0x1  }
0x1: {  	s0 =	srdreg.scid  }
0x2: {  	s1 =	sshll.u32 s0, $0x4  }
0x3: {  	s0 =	stileid.u32;
	s1 =	sand.u32 $0x10, s1  }
0x4: {  	s7 =	rddreg [dreg:$0x0];
	s1 =	sor.u32 s0, s1  }
0x5: {  	s4 =	simm.s32 $0x1;
	s8 =	simm.s32 $0x2;
	s2 =	sshll.u32 s1, $0x7  }
0x6: {  	s13 =	simm.s32 $0x0;
	s9 =	simm.s32 $0x20000;
	s1 =	ssub.s32 $0x4000, s2  }
0x7: {  	s14 =	simm.s32 $0x0;
	s11 =	simm.s32 $0x0;
	s3 =	sand.u32 $0xF80, s1  }
0x8: {  	s12 =	simm.s32 $0x0;
	s5 =	sshrl.u32 s1, $0xC;
	p0 =	sne.s32 s3, $0x0  }
.Ltmp0:
0x9: {  	s1 =	rddreg [dreg:$0x2];
	s4 =	simm.s32 @!p0 $0x0;
	(pc) =	sbr.rel .LBB1_1-.Ltmp0, $4  }
0xa: {  	s6 =	sadd.s32 $0xA00, s7;
	s3 =	rddreg [dreg:$0x1];
	s5 =	sadd.s32 s4, s5  }
0xb: {  	_ =	strace $0x8000004A;
	s4 =	simm.s32 $0x1;
	s5 =	smul.u32 $0x19, s5  }
0xc: {  	s7 =	sadd.s32 $0x40A00, s7;
	s10 =	smov.u32 s2;
	[sflag:s4] =	ssyncpa.u1 $0x0  }
0xd: {  	p0 =	por $0x0, $0x0;
	[sflag:s8] =	ssyncpa.u1 $0x0;
	s8 =	sadd.s32 $0x1, s5  }
.LBB1_7:
0xe: {  	s15 =	sadd.s32 $0x1000, s10  }
0xf: {  	s13 =	sadd.s32 $0x2, s11;
	s17 =	smov.u32 s11;
	p2 =	sgt.s32 s15, $0x3FFF  }
0x10: {  	s17 =	smov.u32 @p2 s13  }
0x11: {  	s15 =	smov.u32 @p2 s2;
	p2 =	sgt.s32 s17, $0x31  }
0x12: {  	s17 =	simm.s32 @p2 $0x0;
	p2 =	sne.s32 s12, s8  }
.Ltmp1:
0x13: {  	p1 =	slt.u32 s12, $0x2;
	(pc) =	sbr.rel @!p2 .LBB1_8-.Ltmp1, $4  }
0x14: {  	s16 =	simm.s32 @!p1 $0x2  }
0x15: {  	s14 =	smov.u32 s11;
	p0 =	por !p0, !p0;
	_ =	swait.ge @!p1 [sflag:s16], $0x2000  }
0x16: {  	s13 =	smov.u32 s10;
	[sflag:s16] =	ssyncset.done @!p1 $0x0;
	s10 =	smov.u32 s15  }
0x17: {  	s12 =	sadd.s32 $0x1, s12;
	[sflag:s16] =	ssyncadd.s32 @!p1 $0xFFFFE000;
	s11 =	smov.u32 s17  }
.LBB1_1:
0x18: {  	p1 =	sge.u32 s12, s5  }
0x19: {  	s15 =	sxor.u32 @!p1 $0xFFFFFFFF, s12;
	s16 =	sshll.u32 @!p1 s11, $0x12  }
0x1a: {  	s17 =	sshll.u32 @!p1 s10, $0x4;
	s19 =	simm.s32 @!p1 $0x20;
	s20 =	simm.s32 @!p1 $0x80  }
0x1b: {  	s15 =	sshll.u32 @!p1 s15, $0xD;
	s17 =	sand.u32 @!p1 $0x3FFF0, s17;
	s18 =	sadd.s32 @!p1 s6, s16  }
0x1c: {  	s16 =	sadd.s32 @!p1 s16, s7;
	s15 =	sand.u32 @!p1 $0x2000, s15;
	s18 =	sadd.s32 @!p1 s17, s18  }
0x1d: {  	[tilespmem:s15], [sflag:$0x1] =	stream.strided.gather @!p1 [hbm4b:s18+s19], $0x1000, s20, s19, $0x38;
	[tilespmem:$0x8080] =	vst v63  }
0x1e: {  	s31 =	sadd.s32 $0xFFFFFFFF, s12;
	s16 =	sadd.s32 @!p1 s17, s16;
	s15 =	sor.u32 @!p1 $0x1000, s15  }
0x1f: {  	[tilespmem:s15], [sflag:$0x1] =	stream.strided.gather @!p1 [hbm4b:s16+s19], $0x1000, s20, s19, $0x38;
	[tilespmem:$0x8080] =	vst v63  }
0x20: {  	p1 =	sge.u32 s31, s5  }
.Ltmp2:
0x21: {  	_ = 	snop;
	(pc) =	sbr.rel @p1 .LBB1_7-.Ltmp2, $1  }
0x22: {  	_ =	sdelay $0x3  }
0x23: {  	s15 =	simm.s32 $0x1;
	s17 =	sand.u32 $0x1, s12  }
0x24: {  	_ =	swait.ge [sflag:s4], $0x2000;
	s15 =	simm.s32 @!p0 $0x0;
	s17 =	smul.u32 $0x8100, s17  }
0x25: {  	p2 =	por $0x1, $0x1;
	[sflag:s4] =	ssyncset.done $0x0;
	s16 =	smul.u32 $0x8100, s15  }
0x26: {  	s18 =	sshll.u32 s15, $0xF;
	[sflag:s4] =	ssyncadd.s32 $0xFFFFE000;
	s30 =	sshrl.u32 s17, $0x2  }
0x27: {  	s31 =	sshrl.u32 s18, $0x2;
	s18 =	simm.s32 $0x0;
	s16 =	sshrl.u32 s16, $0x2  }
0x28: {  	s15 =	sor.u32 $0x4000, s30;
	s17 =	sadd.s32 $0x10, s31;
	s16 =	sor.u32 $0x4000, s16  }
.LBB1_3:
0x29: {  	s19 =	sshll.u32 s18, $0xC  }
0x2a: {  	s19 =	sand.u32 $0x3FFFF000, s19  }
0x2b: {  	s20 =	sadd.s32 s19, s17  }
0x2c: {  	s31 =	smul.u32 $0x4080, s18;
	v1 =	vld [tilespmem:s20+$0x0]  }
0x2d: {  	v0 =	vld [tilespmem:s20+$0xFFFFFFF0]  }
0x2e: {  	s18 =	sshra.s32 s31, $0x2  }
0x2f: {  	s18 =	sadd.s32 s18, s16  }
0x30: {  	s21 =	sadd.s32 $0x0, s18  }
0x31: {  	p1 =	por p2, p2;
	s19 =	simm.s32 $0x4;
	s20 =	sadd.s32 $0x20, s20;
	[tilespmem:s21+$0x810 ss:$0x81] =	vst.msk $0xffff, v1  }
.LBB1_4:
0x32: {  	v1 =	vld [tilespmem:s20+$0x0];
	p2 =	sne.s32 s19, $0x1FC;
	[tilespmem:s21+$0x0 ss:$0x81] =	vst.msk $0xffff, v0;
	s21 =	smov.u32 s19;
	s19 =	sadd.s32 $0x4, s19  }
.Ltmp3:
0x33: {  	v0 =	vld [tilespmem:s20+$0xFFFFFFF0];
	(pc) =	sbr.rel @p2 .LBB1_4-.Ltmp3, $4  }
0x34: {  	_ = 	snop  }
0x35: {  	s21 =	sshra.s32 s21, $0x2  }
0x36: {  	s21 =	sadd.s32 s21, s18  }
0x37: {  	s20 =	sadd.s32 $0x20, s20;
	[tilespmem:s21+$0x810 ss:$0x81] =	vst.msk $0xffff, v1  }
.Ltmp4:
0x38: {  	(pc) =	sbr.rel @p1 .LBB1_3-.Ltmp4, $2  }
0x39: {  	_ =	sdelay $0x2  }
0x3a: {  	[tilespmem:s21+$0x0 ss:$0x81] =	vst.msk $0xffff, v0;
	s18 =	simm.s32 $0x1;
	p2 =	por $0x0, $0x0  }
0x3b: {  	s16 =	sshll.u32 s13, $0x3;
	s17 =	sand.u32 $0x78, s13;
	s14 =	sshll.u32 s14, $0x10  }
.Ltmp5:
0x3c: {  	s30 =	sand.u32 $0xF800, s13;
	s16 =	sand.u32 $0x3C00, s16;
	(pc) =	sbr.rel .LBB1_7-.Ltmp5, $4  }
0x3d: {  	s31 =	sand.u32 $0x7, s13;
	s14 =	sadd.s32 s3, s14;
	s16 =	sor.u32 s17, s16  }
0x3e: {  	s13 =	sshll.u32 s31, $0x12;
	s14 =	sadd.s32 s30, s14;
	s16 =	sshrl.u32 s16, $0x3  }
0x3f: {  	s13 =	sor.u32 $0x400, s13;
	s14 =	sadd.s32 s16, s14  }
0x40: {  	[hbm4b:s14+s13] =	stream.strided.scatter [tilespmem:s15], [sflag:$0x2], $0x2000, s9, s13, $0x20;
	[tilespmem:$0x8080] =	vst v63  }
.LBB1_8:
0x41: {  	_ =	sfence.sel $0x180000  }
0x42: {  	s2 =	simm.s32 $0x1;
	[bflag:$0x0] =	sbarrier.arrive $0xFFFF  }
0x43: {  	s31 =	simm.s32 $0x2;
	[sflag:s2] =	ssyncpa.u1 $0x1  }
0x44: {  	[sflag:s31] =	ssyncpa.u1 $0x1  }
0x45: {  	p0 =	sne.s32 s0, $0x0;
	_ =	strace $0x9000004A  }
0x46: {  	s0 =	sadd.s32 @!p0 $0x100000, s1;
	[bflag:$0x2] =	sbarrier.arrive $0xFFFF  }
0x47: {  	[sflag:s0] =	ssyncadd.tile.s32 @!p0 $0x1;
	_ =	shalt  }
.Lfunc_end1:
_tile_overlayer_lowered:
.L_overlay_start_2:
0x48: {  	(tag) =	ssettag $0x2  }
0x49: {  	s0 =	rddreg [dreg:$0x0];
	s2 =	stileid.u32  }
0x4a: {  	s1 =	rddreg [dreg:$0x1];
	p0 =	sne.s32 s2, $0x0  }
0x4b: {  	s3 =	rddreg [dreg:$0x2];
	[bflag:$0x3] =	sbarrier.arrive $0xFFFF;
	s2 =	simm.s32 @!p0 $0x1C01  }
0x4c: {  	[timem:s3], [sflag:s2] =	dma.local @!p0 [hbm:s0], s1  }
0x4d: {  	s0 =	simm.s32 @!p0 $0x1  }
0x4e: {  	_ =	swait.ge @!p0 [sflag:s0], s1  }
0x4f: {  	s1 =	ssub.s32 @!p0 $0x0, s1;
	[sflag:s0] =	ssyncset.done @!p0 $0x0  }
0x50: {  	[sflag:s0] =	ssyncadd.s32 @!p0 s1  }
0x51: {  	[bflag:$0x3] =	sbarrier.arrive $0xFFFF  }
0x52: {  	_ =	shalt  }

</sc_bundles>
